<compile_context>
chip_gen: v7x
topology: tpu7x:2x2x1
jax: 0.10.2.dev20260603
libtpu: 0.0.44.dev20260713+nightly
codegen_flags: <defaults>
</compile_context>

<pallas_src>
import functools

import jax
import jax.numpy as jnp
from jax import lax
from jax.experimental import pallas as pl
from jax.experimental.pallas import tpu as pltpu
from jax.experimental.pallas import tpu_sc as plsc

N = 262144
B = 4096
DH = 128

ROWS = 8192
NC = 2
NS = 16
NW = NC * NS
CHUNK = N // NW
CROWS = CHUNK // 128


RS = ROWS // 128


def _contrib_body(x7_ref, ph_ref, eh_ref, out_ref):
    x7 = x7_ref[...]
    px = x7[0:3]
    tx = x7[3:6]
    sg = x7[6:7]
    sig2 = sg * sg
    dx = tx / sig2 - px
    cx = jnp.sum(0.5 * sig2 * dx * dx, axis=0)
    dh = eh_ref[...] - ph_ref[...]
    dh2 = (dh * dh).reshape(RS, 128, DH)
    ones_row = jnp.ones((1, DH), jnp.float32)
    ch = jnp.concatenate(
        [lax.dot_general(ones_row, dh2[s],
                         (((1,), (1,)), ((), ())),
                         preferred_element_type=jnp.float32)
         for s in range(RS)], axis=0)
    out_ref[...] = ch + cx.reshape(RS, 128)


def _per_atom_contrib(x7, ph, eh):
    grid = N // ROWS
    return pl.pallas_call(
        _contrib_body,
        grid=(grid,),
        in_specs=[
            pl.BlockSpec((7, ROWS), lambda i: (0, i)),
            pl.BlockSpec((ROWS, DH), lambda i: (i, 0)),
            pl.BlockSpec((ROWS, DH), lambda i: (i, 0)),
        ],
        out_specs=pl.BlockSpec((RS, 128), lambda i: (i, 0)),
        out_shape=jax.ShapeDtypeStruct((N // 128, 128), jnp.float32),
    )(x7, ph, eh)


def _segsum_body(c_hbm, ids_hbm, ones_hbm, zeros_hbm, sums_hbm, cnts_hbm,
                 vals_v, idx_v, ones_v, ssum, scnt, sem):
    cid = lax.axis_index("c")
    sid = lax.axis_index("s")
    wid = sid * NC + cid
    base = wid * CHUNK
    ld1 = pltpu.async_copy(c_hbm.at[pl.ds(base, CHUNK)], vals_v, sem)
    ld2 = pltpu.async_copy(ids_hbm.at[pl.ds(base, CHUNK)], idx_v, sem)
    ld3 = pltpu.async_copy(ones_hbm, ones_v, sem)

    @pl.when(sid == 0)
    def _():
        pltpu.sync_copy(zeros_hbm, ssum)
        pltpu.sync_copy(zeros_hbm, scnt)

    ld1.wait()
    ld2.wait()
    ld3.wait()
    plsc.subcore_barrier()
    pltpu.sync_copy(vals_v, ssum.at[idx_v], add=True)
    pltpu.sync_copy(ones_v, scnt.at[idx_v], add=True)
    plsc.subcore_barrier()

    @pl.when(sid == 0)
    def _():
        pltpu.sync_copy(ssum, sums_hbm.at[cid])
        pltpu.sync_copy(scnt, cnts_hbm.at[cid])


def _segsum(cflat, ids, ones, zeros):
    k = functools.partial(
        pl.kernel,
        mesh=plsc.VectorSubcoreMesh(core_axis_name="c", subcore_axis_name="s"),
        out_type=[
            jax.ShapeDtypeStruct((NC, B), jnp.float32),
            jax.ShapeDtypeStruct((NC, B), jnp.float32),
        ],
        scratch_types=[
            pltpu.VMEM((CHUNK,), jnp.float32),
            pltpu.VMEM((CHUNK,), jnp.int32),
            pltpu.VMEM((CHUNK,), jnp.float32),
            pltpu.VMEM_SHARED((B,), jnp.float32),
            pltpu.VMEM_SHARED((B,), jnp.float32),
            pltpu.SemaphoreType.DMA,
        ],
    )(_segsum_body)
    return k(cflat, ids, ones, zeros)


def _final_body(s_ref, c_ref, lat_ref, out_ref):
    s = jnp.sum(s_ref[...], axis=0)
    cnt = jnp.maximum(jnp.sum(c_ref[...], axis=0), 1.0)
    main = jnp.sum(s / cnt) * (1.0 / B)
    lat = lat_ref[...]
    ln = lat[0:3]
    ls = lat[3:4]
    an = lat[4:7]
    pln = lat[7:10]
    pan = lat[10:13]
    ls2 = ls * ls
    dl = pln - ln / ls2
    length_loss = jnp.mean(0.5 * ls2 * dl * dl)
    da = pan - an
    angle_loss = jnp.mean(da * da)
    out_ref[...] = jnp.full((1, 1), main + length_loss + angle_loss,
                            dtype=jnp.float32)


def _finalize(sums, cnts, lat):
    return pl.pallas_call(
        _final_body,
        out_shape=jax.ShapeDtypeStruct((1, 1), jnp.float32),
    )(sums, cnts, lat)


def kernel(pred_eps_x, target_eps_x, used_sigmas_x, pred_eps_h, eps_h,
           batch_ids, length_noise, length_used_sigmas, angle_noise,
           pred_param_noise):
    x7 = jnp.concatenate([pred_eps_x.T, target_eps_x.T, used_sigmas_x.T],
                         axis=0)
    ids = batch_ids.astype(jnp.int32).reshape(N)
    ones = jnp.ones((CHUNK,), jnp.float32)
    zeros = jnp.zeros((B,), jnp.float32)
    c = _per_atom_contrib(x7, pred_eps_h, eps_h)
    cflat = c.reshape(N)
    sums, cnts = _segsum(cflat, ids, ones, zeros)
    lat = jnp.concatenate([length_noise.T, length_used_sigmas.T,
                           angle_noise.T, pred_param_noise.T], axis=0)
    out = _finalize(sums, cnts, lat)
    return out.reshape(())

# --- scband reference (transcript-rebuilt; emitter-appended) ---
"""Pipeline reference for scband-diffusion-loss-7868380086462 (READ-ONLY COPY).

The authoritative reference and input builder live on the scoring server;
editing this copy changes nothing except your own understanding.
"""

import jax, jax.numpy as jnp
import numpy as np

N = 262144
B = 4096
DH = 128


def setup_inputs(seed: int = 0) -> dict:
    key = jax.random.key(seed)
    ks = jax.random.split(key, 10)
    pred_eps_x = jax.random.normal(ks[0], (N, 3), dtype=jnp.float32)
    target_eps_x = jax.random.normal(ks[1], (N, 3), dtype=jnp.float32)
    # sigmas kept away from zero to avoid blow-up in 1/sigma^2 terms
    used_sigmas_x = jax.random.uniform(ks[2], (N, 1), dtype=jnp.float32, minval=0.5, maxval=1.5)
    pred_eps_h = jax.random.normal(ks[3], (N, DH), dtype=jnp.float32)
    eps_h = jax.random.normal(ks[4], (N, DH), dtype=jnp.float32)
    batch_ids = jnp.sort(jax.random.randint(ks[5], (N,), 0, B)).astype(jnp.int64)
    length_noise = jax.random.normal(ks[6], (B, 3), dtype=jnp.float32)
    length_used_sigmas = jax.random.uniform(ks[7], (B, 1), dtype=jnp.float32, minval=0.5, maxval=1.5)
    angle_noise = jax.random.normal(ks[8], (B, 3), dtype=jnp.float32)
    pred_param_noise = jax.random.normal(ks[9], (B, 6), dtype=jnp.float32)
    return {
        "pred_eps_x": pred_eps_x,
        "target_eps_x": target_eps_x,
        "used_sigmas_x": used_sigmas_x,
        "pred_eps_h": pred_eps_h,
        "eps_h": eps_h,
        "batch_ids": batch_ids,
        "length_noise": length_noise,
        "length_used_sigmas": length_used_sigmas,
        "angle_noise": angle_noise,
        "pred_param_noise": pred_param_noise,
    }


def _scatter_mean(vals, ids, num_segments):
    s = jax.ops.segment_sum(vals, ids, num_segments=num_segments)
    c = jax.ops.segment_sum(jnp.ones((vals.shape[0], 1), dtype=vals.dtype), ids, num_segments=num_segments)
    return s / jnp.maximum(c, 1.0)


def compute_error(pred_eps, eps, batch_ids, weights=None):
    # mirrors DiffusionLoss.compute_error (torch_scatter reduce='mean')
    if weights is None:
        error = _scatter_mean((eps - pred_eps) ** 2, batch_ids, B)
    else:
        error = _scatter_mean(weights * (eps - pred_eps) ** 2, batch_ids, B)
    if error.ndim > 1:
        error = error.sum(-1)
    return error


def lattice_loss2(length_noise, length_used_sigmas, angle_noise, pred_param_noise):
    pred_length_noise = pred_param_noise[:, :3]
    pred_angle_noise = pred_param_noise[:, 3:]
    length_weights = 0.5 * length_used_sigmas ** 2
    adjusted_length_noise = length_noise / length_used_sigmas ** 2
    length_loss = (length_weights * (pred_length_noise - adjusted_length_noise) ** 2).mean()
    angle_loss = jnp.mean((pred_angle_noise - angle_noise) ** 2)
    return length_loss + angle_loss


def reference(pred_eps_x, target_eps_x, used_sigmas_x, pred_eps_h, eps_h, batch_ids,
              length_noise, length_used_sigmas, angle_noise, pred_param_noise):
    cost_coord_coeff = 1.0
    cost_type_coeff = 1.0
    lattice_coeff = 1.0
    # error_x: weighted scatter-mean of squared error, weights = 0.5*sigma^2,
    # target scaled by 1/sigma^2 (as in __call__)
    error_x = compute_error(pred_eps_x, target_eps_x / used_sigmas_x ** 2, batch_ids,
                            weights=0.5 * used_sigmas_x ** 2)
    error_h = compute_error(pred_eps_h, eps_h, batch_ids)
    error_l = lattice_loss2(length_noise, length_used_sigmas, angle_noise, pred_param_noise)
    loss = cost_coord_coeff * error_x + cost_type_coeff * error_h + lattice_coeff * error_l
    return loss.mean()

if __name__ == "__main__":
    import jax
    _d = setup_inputs()
    print(jax.jit(kernel)(*tuple(_d.values())))

</pallas_src>

<mosaic_0001>
#map = affine_map<(d0, d1) -> (0)>
#map1 = affine_map<(d0, d1) -> (0, 0)>
module attributes {stable_mosaic.version = 14 : i64} {
  func.func @_segsum_body(%arg0: i32, %arg1: i32, %arg2: memref<262144xf32, #tpu.memory_space<hbm>>, %arg3: memref<262144xi32, #tpu.memory_space<hbm>>, %arg4: memref<8192xf32, #tpu.memory_space<hbm>>, %arg5: memref<4096xf32, #tpu.memory_space<hbm>>, %arg6: memref<2x4096xf32, #tpu.memory_space<hbm>>, %arg7: memref<2x4096xf32, #tpu.memory_space<hbm>>, %arg8: memref<8192xf32, #tpu.memory_space<vmem>>, %arg9: memref<8192xi32, #tpu.memory_space<vmem>>, %arg10: memref<8192xf32, #tpu.memory_space<vmem>>, %arg11: memref<4096xf32, #tpu.memory_space<vmem_shared>>, %arg12: memref<4096xf32, #tpu.memory_space<vmem_shared>>, %arg13: memref<!tpu.dma_semaphore, #tpu.memory_space<semaphore_mem>>) attributes {dimension_semantics = [#tpu.dimension_semantics<core_parallel>, #tpu.dimension_semantics<subcore_parallel>], iteration_bounds = array<i64: 2, 16>, scalar_prefetch = 0 : i64, scratch_operands = 6 : i64, tpu.core_type = #tpu.core_type<sc_vector_subcore>, window_params = [{transform_indices = #map}, {transform_indices = #map}, {transform_indices = #map}, {transform_indices = #map}, {transform_indices = #map1}, {transform_indices = #map1}]} {
    %mul3A = arith.constant 2 : i32
    %mul3A_0 = arith.muli %arg1, %mul3A : i32
    %add3A = arith.addi %mul3A_0, %arg0 : i32
    %mul3A_1 = arith.constant 8192 : i32
    %mul3A_2 = arith.muli %add3A, %mul3A_1 : i32
    %dma_start3A = tpu.memref_slice %arg2[%mul3A_2] : memref<262144xf32, #tpu.memory_space<hbm>> -> memref<8192xf32, #tpu.memory_space<hbm>>
    %dma_start3A_3 = tpu.memref_slice %arg2[%mul3A_2] : memref<262144xf32, #tpu.memory_space<hbm>> -> memref<8192xf32, #tpu.memory_space<hbm>>
    tpu.enqueue_dma source(%dma_start3A_3 : memref<8192xf32, #tpu.memory_space<hbm>>) target(%arg8 : memref<8192xf32, #tpu.memory_space<vmem>>) target_semaphore(%arg13 : memref<!tpu.dma_semaphore, #tpu.memory_space<semaphore_mem>>)
    %dma_start3A_4 = tpu.memref_slice %arg3[%mul3A_2] : memref<262144xi32, #tpu.memory_space<hbm>> -> memref<8192xi32, #tpu.memory_space<hbm>>
    %dma_start3A_5 = tpu.memref_slice %arg3[%mul3A_2] : memref<262144xi32, #tpu.memory_space<hbm>> -> memref<8192xi32, #tpu.memory_space<hbm>>
    tpu.enqueue_dma source(%dma_start3A_5 : memref<8192xi32, #tpu.memory_space<hbm>>) target(%arg9 : memref<8192xi32, #tpu.memory_space<vmem>>) target_semaphore(%arg13 : memref<!tpu.dma_semaphore, #tpu.memory_space<semaphore_mem>>)
    tpu.enqueue_dma source(%arg4 : memref<8192xf32, #tpu.memory_space<hbm>>) target(%arg10 : memref<8192xf32, #tpu.memory_space<vmem>>) target_semaphore(%arg13 : memref<!tpu.dma_semaphore, #tpu.memory_space<semaphore_mem>>)
    %eq3A = arith.constant 0 : i32
    %eq3A_6 = arith.cmpi eq, %arg1, %eq3A : i32
    %convert_element_type3A = arith.extui %eq3A_6 : i1 to i32
    %cond3A = arith.constant 0 : i32
    %cond3A_7 = arith.cmpi ne, %convert_element_type3A, %cond3A : i32
    scf.if %cond3A_7 {
      "tpu.region"() ({
        %run_scoped3A = tpu.sem_alloc : memref<!tpu.dma_semaphore, #tpu.memory_space<semaphore_mem>>
        tpu.enqueue_dma source(%arg5 : memref<4096xf32, #tpu.memory_space<hbm>>) target(%arg11 : memref<4096xf32, #tpu.memory_space<vmem_shared>>) target_semaphore(%run_scoped3A : memref<!tpu.dma_semaphore, #tpu.memory_space<semaphore_mem>>)
        tpu.wait_dma2 semaphore(%run_scoped3A : memref<!tpu.dma_semaphore, #tpu.memory_space<semaphore_mem>>) src(%arg5 : memref<4096xf32, #tpu.memory_space<hbm>>) dst(%arg11 : memref<4096xf32, #tpu.memory_space<vmem_shared>>)
        tpu.yield
      }) : () -> ()
      "tpu.region"() ({
        %run_scoped3A = tpu.sem_alloc : memref<!tpu.dma_semaphore, #tpu.memory_space<semaphore_mem>>
        tpu.enqueue_dma source(%arg5 : memref<4096xf32, #tpu.memory_space<hbm>>) target(%arg12 : memref<4096xf32, #tpu.memory_space<vmem_shared>>) target_semaphore(%run_scoped3A : memref<!tpu.dma_semaphore, #tpu.memory_space<semaphore_mem>>)
        tpu.wait_dma2 semaphore(%run_scoped3A : memref<!tpu.dma_semaphore, #tpu.memory_space<semaphore_mem>>) src(%arg5 : memref<4096xf32, #tpu.memory_space<hbm>>) dst(%arg12 : memref<4096xf32, #tpu.memory_space<vmem_shared>>)
        tpu.yield
      }) : () -> ()
    } else {
    }
    %dma_wait3A = tpu.memref_slice %arg2[%mul3A_2] : memref<262144xf32, #tpu.memory_space<hbm>> -> memref<8192xf32, #tpu.memory_space<hbm>>
    %dma_wait3A_8 = tpu.memref_slice %arg2[%mul3A_2] : memref<262144xf32, #tpu.memory_space<hbm>> -> memref<8192xf32, #tpu.memory_space<hbm>>
    tpu.wait_dma2 semaphore(%arg13 : memref<!tpu.dma_semaphore, #tpu.memory_space<semaphore_mem>>) src(%dma_wait3A_8 : memref<8192xf32, #tpu.memory_space<hbm>>) dst(%arg8 : memref<8192xf32, #tpu.memory_space<vmem>>)
    %dma_wait3A_9 = tpu.memref_slice %arg3[%mul3A_2] : memref<262144xi32, #tpu.memory_space<hbm>> -> memref<8192xi32, #tpu.memory_space<hbm>>
    %dma_wait3A_10 = tpu.memref_slice %arg3[%mul3A_2] : memref<262144xi32, #tpu.memory_space<hbm>> -> memref<8192xi32, #tpu.memory_space<hbm>>
    tpu.wait_dma2 semaphore(%arg13 : memref<!tpu.dma_semaphore, #tpu.memory_space<semaphore_mem>>) src(%dma_wait3A_10 : memref<8192xi32, #tpu.memory_space<hbm>>) dst(%arg9 : memref<8192xi32, #tpu.memory_space<vmem>>)
    tpu.wait_dma2 semaphore(%arg13 : memref<!tpu.dma_semaphore, #tpu.memory_space<semaphore_mem>>) src(%arg4 : memref<8192xf32, #tpu.memory_space<hbm>>) dst(%arg10 : memref<8192xf32, #tpu.memory_space<vmem>>)
    %barrier3A = arith.constant 0 : index
    tpu.barrier barrier_id(%barrier3A)
    "tpu.region"() ({
      %run_scoped3A = tpu.sem_alloc : memref<!tpu.dma_semaphore, #tpu.memory_space<semaphore_mem>>
      %dma_start3A_17 = arith.constant 0 : i32
      %dma_start3A_18 = tpu.memref_slice %arg11[%dma_start3A_17] : memref<4096xf32, #tpu.memory_space<vmem_shared>> -> memref<4096xf32, #tpu.memory_space<vmem_shared>>
      tpu.enqueue_indirect_dma source(%arg8 : memref<8192xf32, #tpu.memory_space<vmem>>) target(%dma_start3A_18 : memref<4096xf32, #tpu.memory_space<vmem_shared>>) offsets(%arg9 : memref<8192xi32, #tpu.memory_space<vmem>>) semaphore(%run_scoped3A : memref<!tpu.dma_semaphore, #tpu.memory_space<semaphore_mem>>) {add = true}
      %dma_wait3A_19 = arith.constant 0 : i32
      %dma_wait3A_20 = tpu.memref_slice %arg11[%dma_wait3A_19] : memref<4096xf32, #tpu.memory_space<vmem_shared>> -> memref<4096xf32, #tpu.memory_space<vmem_shared>>
      tpu.wait_indirect_dma semaphore(%run_scoped3A : memref<!tpu.dma_semaphore, #tpu.memory_space<semaphore_mem>>) src(%arg8 : memref<8192xf32, #tpu.memory_space<vmem>>) dst(%dma_wait3A_20 : memref<4096xf32, #tpu.memory_space<vmem_shared>>)
      tpu.yield
    }) : () -> ()
    "tpu.region"() ({
      %run_scoped3A = tpu.sem_alloc : memref<!tpu.dma_semaphore, #tpu.memory_space<semaphore_mem>>
      %dma_start3A_17 = arith.constant 0 : i32
      %dma_start3A_18 = tpu.memref_slice %arg12[%dma_start3A_17] : memref<4096xf32, #tpu.memory_space<vmem_shared>> -> memref<4096xf32, #tpu.memory_space<vmem_shared>>
      tpu.enqueue_indirect_dma source(%arg10 : memref<8192xf32, #tpu.memory_space<vmem>>) target(%dma_start3A_18 : memref<4096xf32, #tpu.memory_space<vmem_shared>>) offsets(%arg9 : memref<8192xi32, #tpu.memory_space<vmem>>) semaphore(%run_scoped3A : memref<!tpu.dma_semaphore, #tpu.memory_space<semaphore_mem>>) {add = true}
      %dma_wait3A_19 = arith.constant 0 : i32
      %dma_wait3A_20 = tpu.memref_slice %arg12[%dma_wait3A_19] : memref<4096xf32, #tpu.memory_space<vmem_shared>> -> memref<4096xf32, #tpu.memory_space<vmem_shared>>
      tpu.wait_indirect_dma semaphore(%run_scoped3A : memref<!tpu.dma_semaphore, #tpu.memory_space<semaphore_mem>>) src(%arg10 : memref<8192xf32, #tpu.memory_space<vmem>>) dst(%dma_wait3A_20 : memref<4096xf32, #tpu.memory_space<vmem_shared>>)
      tpu.yield
    }) : () -> ()
    %barrier3A_11 = arith.constant 0 : index
    tpu.barrier barrier_id(%barrier3A_11)
    %eq3A_12 = arith.constant 0 : i32
    %eq3A_13 = arith.cmpi eq, %arg1, %eq3A_12 : i32
    %convert_element_type3A_14 = arith.extui %eq3A_13 : i1 to i32
    %cond3A_15 = arith.constant 0 : i32
    %cond3A_16 = arith.cmpi ne, %convert_element_type3A_14, %cond3A_15 : i32
    scf.if %cond3A_16 {
      "tpu.region"() ({
        %run_scoped3A = tpu.sem_alloc : memref<!tpu.dma_semaphore, #tpu.memory_space<semaphore_mem>>
        %dma_start3A_17 = arith.constant 0 : i32
        %dma_start3A_18 = tpu.memref_slice %arg6[%arg0, %dma_start3A_17] : memref<2x4096xf32, #tpu.memory_space<hbm>> -> memref<1x4096xf32, #tpu.memory_space<hbm>>
        %dma_start3A_19 = tpu.memref_squeeze %dma_start3A_18 : memref<1x4096xf32, #tpu.memory_space<hbm>> -> memref<4096xf32, #tpu.memory_space<hbm>>
        tpu.enqueue_dma source(%arg11 : memref<4096xf32, #tpu.memory_space<vmem_shared>>) target(%dma_start3A_19 : memref<4096xf32, #tpu.memory_space<hbm>>) target_semaphore(%run_scoped3A : memref<!tpu.dma_semaphore, #tpu.memory_space<semaphore_mem>>)
        %dma_wait3A_20 = arith.constant 0 : i32
        %dma_wait3A_21 = tpu.memref_slice %arg6[%arg0, %dma_wait3A_20] : memref<2x4096xf32, #tpu.memory_space<hbm>> -> memref<1x4096xf32, #tpu.memory_space<hbm>>
        %dma_wait3A_22 = tpu.memref_squeeze %dma_wait3A_21 : memref<1x4096xf32, #tpu.memory_space<hbm>> -> memref<4096xf32, #tpu.memory_space<hbm>>
        tpu.wait_dma2 semaphore(%run_scoped3A : memref<!tpu.dma_semaphore, #tpu.memory_space<semaphore_mem>>) src(%arg11 : memref<4096xf32, #tpu.memory_space<vmem_shared>>) dst(%dma_wait3A_22 : memref<4096xf32, #tpu.memory_space<hbm>>)
        tpu.yield
      }) : () -> ()
      "tpu.region"() ({
        %run_scoped3A = tpu.sem_alloc : memref<!tpu.dma_semaphore, #tpu.memory_space<semaphore_mem>>
        %dma_start3A_17 = arith.constant 0 : i32
        %dma_start3A_18 = tpu.memref_slice %arg7[%arg0, %dma_start3A_17] : memref<2x4096xf32, #tpu.memory_space<hbm>> -> memref<1x4096xf32, #tpu.memory_space<hbm>>
        %dma_start3A_19 = tpu.memref_squeeze %dma_start3A_18 : memref<1x4096xf32, #tpu.memory_space<hbm>> -> memref<4096xf32, #tpu.memory_space<hbm>>
        tpu.enqueue_dma source(%arg12 : memref<4096xf32, #tpu.memory_space<vmem_shared>>) target(%dma_start3A_19 : memref<4096xf32, #tpu.memory_space<hbm>>) target_semaphore(%run_scoped3A : memref<!tpu.dma_semaphore, #tpu.memory_space<semaphore_mem>>)
        %dma_wait3A_20 = arith.constant 0 : i32
        %dma_wait3A_21 = tpu.memref_slice %arg7[%arg0, %dma_wait3A_20] : memref<2x4096xf32, #tpu.memory_space<hbm>> -> memref<1x4096xf32, #tpu.memory_space<hbm>>
        %dma_wait3A_22 = tpu.memref_squeeze %dma_wait3A_21 : memref<1x4096xf32, #tpu.memory_space<hbm>> -> memref<4096xf32, #tpu.memory_space<hbm>>
        tpu.wait_dma2 semaphore(%run_scoped3A : memref<!tpu.dma_semaphore, #tpu.memory_space<semaphore_mem>>) src(%arg12 : memref<4096xf32, #tpu.memory_space<vmem_shared>>) dst(%dma_wait3A_22 : memref<4096xf32, #tpu.memory_space<hbm>>)
        tpu.yield
      }) : () -> ()
    } else {
    }
    return
  }
}

module attributes {stable_mosaic.version = 14 : i64} {
  func.func @_contrib_body(%arg0: i32, %arg1: memref<7x8192xf32, #tpu.memory_space<vmem>>, %arg2: memref<8192x128xf32, #tpu.memory_space<vmem>>, %arg3: memref<8192x128xf32, #tpu.memory_space<vmem>>, %arg4: memref<64x128xf32, #tpu.memory_space<vmem>>) attributes {dimension_semantics = [#tpu.dimension_semantics<arbitrary>], iteration_bounds = array<i64: 32>, scalar_prefetch = 0 : i64, scratch_operands = 0 : i64, tpu.core_type = #tpu.core_type<tc>, window_params = [{transform_indices = @transform_0, window_bounds = array<i64: 7, 8192>}, {transform_indices = @transform_1, window_bounds = array<i64: 8192, 128>}, {transform_indices = @transform_2, window_bounds = array<i64: 8192, 128>}, {transform_indices = @transform_3, window_bounds = array<i64: 64, 128>}]} {
    %get3A = arith.constant 0 : index
    %get3A_0 = arith.constant 0 : index
    %get3A_1 = vector.load %arg1[%get3A, %get3A_0] : memref<7x8192xf32, #tpu.memory_space<vmem>>, vector<7x8192xf32>
    %slice3A = vector.extract_strided_slice %get3A_1 {offsets = [0, 0], sizes = [3, 8192], strides = [1, 1]} : vector<7x8192xf32> to vector<3x8192xf32>
    %slice3A_2 = vector.extract_strided_slice %get3A_1 {offsets = [3, 0], sizes = [3, 8192], strides = [1, 1]} : vector<7x8192xf32> to vector<3x8192xf32>
    %slice3A_3 = vector.extract_strided_slice %get3A_1 {offsets = [6, 0], sizes = [1, 8192], strides = [1, 1]} : vector<7x8192xf32> to vector<1x8192xf32>
    %mul3A = arith.mulf %slice3A_3, %slice3A_3 : vector<1x8192xf32>
    %div3A = vector.broadcast %mul3A : vector<1x8192xf32> to vector<3x8192xf32>
    %div3A_4 = arith.divf %slice3A_2, %div3A : vector<3x8192xf32>
    %sub3A = arith.subf %div3A_4, %slice3A : vector<3x8192xf32>
    %mul3A_5 = arith.constant 5.000000e-01 : f32
    %mul3A_6 = vector.broadcast %mul3A_5 : f32 to vector<1x8192xf32>
    %mul3A_7 = arith.mulf %mul3A_6, %mul3A : vector<1x8192xf32>
    %mul3A_8 = vector.broadcast %mul3A_7 : vector<1x8192xf32> to vector<3x8192xf32>
    %mul3A_9 = arith.mulf %mul3A_8, %sub3A : vector<3x8192xf32>
    %mul3A_10 = arith.mulf %mul3A_9, %sub3A : vector<3x8192xf32>
    %reduce_sum3A = arith.constant dense<0.000000e+00> : vector<8192xf32>
    %reduce_sum3A_11 = vector.multi_reduction <add>, %mul3A_10, %reduce_sum3A [0] : vector<3x8192xf32> to vector<8192xf32>
    %get3A_12 = arith.constant 0 : index
    %get3A_13 = arith.constant 0 : index
    %get3A_14 = vector.load %arg3[%get3A_12, %get3A_13] : memref<8192x128xf32, #tpu.memory_space<vmem>>, vector<8192x128xf32>
    %get3A_15 = arith.constant 0 : index
    %get3A_16 = arith.constant 0 : index
    %get3A_17 = vector.load %arg2[%get3A_15, %get3A_16] : memref<8192x128xf32, #tpu.memory_space<vmem>>, vector<8192x128xf32>
    %sub3A_18 = arith.subf %get3A_14, %get3A_17 : vector<8192x128xf32>
    %mul3A_19 = arith.mulf %sub3A_18, %sub3A_18 : vector<8192x128xf32>
    %reshape3A = vector.shape_cast %mul3A_19 : vector<8192x128xf32> to vector<64x128x128xf32>
    %broadcast_in_dim3A = arith.constant 1.000000e+00 : f32
    %broadcast_in_dim3A_20 = vector.broadcast %broadcast_in_dim3A : f32 to vector<1x128xf32>
    %slice3A_21 = vector.extract_strided_slice %reshape3A {offsets = [0, 0, 0], sizes = [1, 128, 128], strides = [1, 1, 1]} : vector<64x128x128xf32> to vector<1x128x128xf32>
    %squeeze3A = vector.shape_cast %slice3A_21 : vector<1x128x128xf32> to vector<128x128xf32>
    %dot_general3A = arith.constant dense<0.000000e+00> : vector<1x128xf32>
    %dot_general3A_22 = tpu.matmul %broadcast_in_dim3A_20, %squeeze3A, %dot_general3A {dimension_numbers = #tpu.dot_dimension_numbers<[1], [1], [0], [0], [0, 0, 1, 0], [], []>, transpose_lhs_hint = false} : vector<1x128xf32>, vector<128x128xf32>, vector<1x128xf32> -> vector<1x128xf32>
    %slice3A_23 = vector.extract_strided_slice %reshape3A {offsets = [1, 0, 0], sizes = [1, 128, 128], strides = [1, 1, 1]} : vector<64x128x128xf32> to vector<1x128x128xf32>
    %squeeze3A_24 = vector.shape_cast %slice3A_23 : vector<1x128x128xf32> to vector<128x128xf32>
    %dot_general3A_25 = arith.constant dense<0.000000e+00> : vector<1x128xf32>
    %dot_general3A_26 = tpu.matmul %broadcast_in_dim3A_20, %squeeze3A_24, %dot_general3A_25 {dimension_numbers = #tpu.dot_dimension_numbers<[1], [1], [0], [0], [0, 0, 1, 0], [], []>, transpose_lhs_hint = false} : vector<1x128xf32>, vector<128x128xf32>, vector<1x128xf32> -> vector<1x128xf32>
    %slice3A_27 = vector.extract_strided_slice %reshape3A {offsets = [2, 0, 0], sizes = [1, 128, 128], strides = [1, 1, 1]} : vector<64x128x128xf32> to vector<1x128x128xf32>
    %squeeze3A_28 = vector.shape_cast %slice3A_27 : vector<1x128x128xf32> to vector<128x128xf32>
    %dot_general3A_29 = arith.constant dense<0.000000e+00> : vector<1x128xf32>
    %dot_general3A_30 = tpu.matmul %broadcast_in_dim3A_20, %squeeze3A_28, %dot_general3A_29 {dimension_numbers = #tpu.dot_dimension_numbers<[1], [1], [0], [0], [0, 0, 1, 0], [], []>, transpose_lhs_hint = false} : vector<1x128xf32>, vector<128x128xf32>, vector<1x128xf32> -> vector<1x128xf32>
    %slice3A_31 = vector.extract_strided_slice %reshape3A {offsets = [3, 0, 0], sizes = [1, 128, 128], strides = [1, 1, 1]} : vector<64x128x128xf32> to vector<1x128x128xf32>
    %squeeze3A_32 = vector.shape_cast %slice3A_31 : vector<1x128x128xf32> to vector<128x128xf32>
    %dot_general3A_33 = arith.constant dense<0.000000e+00> : vector<1x128xf32>
    %dot_general3A_34 = tpu.matmul %broadcast_in_dim3A_20, %squeeze3A_32, %dot_general3A_33 {dimension_numbers = #tpu.dot_dimension_numbers<[1], [1], [0], [0], [0, 0, 1, 0], [], []>, transpose_lhs_hint = false} : vector<1x128xf32>, vector<128x128xf32>, vector<1x128xf32> -> vector<1x128xf32>
    %slice3A_35 = vector.extract_strided_slice %reshape3A {offsets = [4, 0, 0], sizes = [1, 128, 128], strides = [1, 1, 1]} : vector<64x128x128xf32> to vector<1x128x128xf32>
    %squeeze3A_36 = vector.shape_cast %slice3A_35 : vector<1x128x128xf32> to vector<128x128xf32>
    %dot_general3A_37 = arith.constant dense<0.000000e+00> : vector<1x128xf32>
    %dot_general3A_38 = tpu.matmul %broadcast_in_dim3A_20, %squeeze3A_36, %dot_general3A_37 {dimension_numbers = #tpu.dot_dimension_numbers<[1], [1], [0], [0], [0, 0, 1, 0], [], []>, transpose_lhs_hint = false} : vector<1x128xf32>, vector<128x128xf32>, vector<1x128xf32> -> vector<1x128xf32>
    %slice3A_39 = vector.extract_strided_slice %reshape3A {offsets = [5, 0, 0], sizes = [1, 128, 128], strides = [1, 1, 1]} : vector<64x128x128xf32> to vector<1x128x128xf32>
    %squeeze3A_40 = vector.shape_cast %slice3A_39 : vector<1x128x128xf32> to vector<128x128xf32>
    %dot_general3A_41 = arith.constant dense<0.000000e+00> : vector<1x128xf32>
    %dot_general3A_42 = tpu.matmul %broadcast_in_dim3A_20, %squeeze3A_40, %dot_general3A_41 {dimension_numbers = #tpu.dot_dimension_numbers<[1], [1], [0], [0], [0, 0, 1, 0], [], []>, transpose_lhs_hint = false} : vector<1x128xf32>, vector<128x128xf32>, vector<1x128xf32> -> vector<1x128xf32>
    %slice3A_43 = vector.extract_strided_slice %reshape3A {offsets = [6, 0, 0], sizes = [1, 128, 128], strides = [1, 1, 1]} : vector<64x128x128xf32> to vector<1x128x128xf32>
    %squeeze3A_44 = vector.shape_cast %slice3A_43 : vector<1x128x128xf32> to vector<128x128xf32>
    %dot_general3A_45 = arith.constant dense<0.000000e+00> : vector<1x128xf32>
    %dot_general3A_46 = tpu.matmul %broadcast_in_dim3A_20, %squeeze3A_44, %dot_general3A_45 {dimension_numbers = #tpu.dot_dimension_numbers<[1], [1], [0], [0], [0, 0, 1, 0], [], []>, transpose_lhs_hint = false} : vector<1x128xf32>, vector<128x128xf32>, vector<1x128xf32> -> vector<1x128xf32>
    %slice3A_47 = vector.extract_strided_slice %reshape3A {offsets = [7, 0, 0], sizes = [1, 128, 128], strides = [1, 1, 1]} : vector<64x128x128xf32> to vector<1x128x128xf32>
    %squeeze3A_48 = vector.shape_cast %slice3A_47 : vector<1x128x128xf32> to vector<128x128xf32>
    %dot_general3A_49 = arith.constant dense<0.000000e+00> : vector<1x128xf32>
    %dot_general3A_50 = tpu.matmul %broadcast_in_dim3A_20, %squeeze3A_48, %dot_general3A_49 {dimension_numbers = #tpu.dot_dimension_numbers<[1], [1], [0], [0], [0, 0, 1, 0], [], []>, transpose_lhs_hint = false} : vector<1x128xf32>, vector<128x128xf32>, vector<1x128xf32> -> vector<1x128xf32>
    %slice3A_51 = vector.extract_strided_slice %reshape3A {offsets = [8, 0, 0], sizes = [1, 128, 128], strides = [1, 1, 1]} : vector<64x128x128xf32> to vector<1x128x128xf32>
    %squeeze3A_52 = vector.shape_cast %slice3A_51 : vector<1x128x128xf32> to vector<128x128xf32>
    %dot_general3A_53 = arith.constant dense<0.000000e+00> : vector<1x128xf32>
    %dot_general3A_54 = tpu.matmul %broadcast_in_dim3A_20, %squeeze3A_52, %dot_general3A_53 {dimension_numbers = #tpu.dot_dimension_numbers<[1], [1], [0], [0], [0, 0, 1, 0], [], []>, transpose_lhs_hint = false} : vector<1x128xf32>, vector<128x128xf32>, vector<1x128xf32> -> vector<1x128xf32>
    %slice3A_55 = vector.extract_strided_slice %reshape3A {offsets = [9, 0, 0], sizes = [1, 128, 128], strides = [1, 1, 1]} : vector<64x128x128xf32> to vector<1x128x128xf32>
    %squeeze3A_56 = vector.shape_cast %slice3A_55 : vector<1x128x128xf32> to vector<128x128xf32>
    %dot_general3A_57 = arith.constant dense<0.000000e+00> : vector<1x128xf32>
    %dot_general3A_58 = tpu.matmul %broadcast_in_dim3A_20, %squeeze3A_56, %dot_general3A_57 {dimension_numbers = #tpu.dot_dimension_numbers<[1], [1], [0], [0], [0, 0, 1, 0], [], []>, transpose_lhs_hint = false} : vector<1x128xf32>, vector<128x128xf32>, vector<1x128xf32> -> vector<1x128xf32>
    %slice3A_59 = vector.extract_strided_slice %reshape3A {offsets = [10, 0, 0], sizes = [1, 128, 128], strides = [1, 1, 1]} : vector<64x128x128xf32> to vector<1x128x128xf32>
    %squeeze3A_60 = vector.shape_cast %slice3A_59 : vector<1x128x128xf32> to vector<128x128xf32>
    %dot_general3A_61 = arith.constant dense<0.000000e+00> : vector<1x128xf32>
    %dot_general3A_62 = tpu.matmul %broadcast_in_dim3A_20, %squeeze3A_60, %dot_general3A_61 {dimension_numbers = #tpu.dot_dimension_numbers<[1], [1], [0], [0], [0, 0, 1, 0], [], []>, transpose_lhs_hint = false} : vector<1x128xf32>, vector<128x128xf32>, vector<1x128xf32> -> vector<1x128xf32>
    %slice3A_63 = vector.extract_strided_slice %reshape3A {offsets = [11, 0, 0], sizes = [1, 128, 128], strides = [1, 1, 1]} : vector<64x128x128xf32> to vector<1x128x128xf32>
    %squeeze3A_64 = vector.shape_cast %slice3A_63 : vector<1x128x128xf32> to vector<128x128xf32>
    %dot_general3A_65 = arith.constant dense<0.000000e+00> : vector<1x128xf32>
    %dot_general3A_66 = tpu.matmul %broadcast_in_dim3A_20, %squeeze3A_64, %dot_general3A_65 {dimension_numbers = #tpu.dot_dimension_numbers<[1], [1], [0], [0], [0, 0, 1, 0], [], []>, transpose_lhs_hint = false} : vector<1x128xf32>, vector<128x128xf32>, vector<1x128xf32> -> vector<1x128xf32>
    %slice3A_67 = vector.extract_strided_slice %reshape3A {offsets = [12, 0, 0], sizes = [1, 128, 128], strides = [1, 1, 1]} : vector<64x128x128xf32> to vector<1x128x128xf32>
    %squeeze3A_68 = vector.shape_cast %slice3A_67 : vector<1x128x128xf32> to vector<128x128xf32>
    %dot_general3A_69 = arith.constant dense<0.000000e+00> : vector<1x128xf32>
    %dot_general3A_70 = tpu.matmul %broadcast_in_dim3A_20, %squeeze3A_68, %dot_general3A_69 {dimension_numbers = #tpu.dot_dimension_numbers<[1], [1], [0], [0], [0, 0, 1, 0], [], []>, transpose_lhs_hint = false} : vector<1x128xf32>, vector<128x128xf32>, vector<1x128xf32> -> vector<1x128xf32>
    %slice3A_71 = vector.extract_strided_slice %reshape3A {offsets = [13, 0, 0], sizes = [1, 128, 128], strides = [1, 1, 1]} : vector<64x128x128xf32> to vector<1x128x128xf32>
    %squeeze3A_72 = vector.shape_cast %slice3A_71 : vector<1x128x128xf32> to vector<128x128xf32>
    %dot_general3A_73 = arith.constant dense<0.000000e+00> : vector<1x128xf32>
    %dot_general3A_74 = tpu.matmul %broadcast_in_dim3A_20, %squeeze3A_72, %dot_general3A_73 {dimension_numbers = #tpu.dot_dimension_numbers<[1], [1], [0], [0], [0, 0, 1, 0], [], []>, transpose_lhs_hint = false} : vector<1x128xf32>, vector<128x128xf32>, vector<1x128xf32> -> vector<1x128xf32>
    %slice3A_75 = vector.extract_strided_slice %reshape3A {offsets = [14, 0, 0], sizes = [1, 128, 128], strides = [1, 1, 1]} : vector<64x128x128xf32> to vector<1x128x128xf32>
    %squeeze3A_76 = vector.shape_cast %slice3A_75 : vector<1x128x128xf32> to vector<128x128xf32>
    %dot_general3A_77 = arith.constant dense<0.000000e+00> : vector<1x128xf32>
    %dot_general3A_78 = tpu.matmul %broadcast_in_dim3A_20, %squeeze3A_76, %dot_general3A_77 {dimension_numbers = #tpu.dot_dimension_numbers<[1], [1], [0], [0], [0, 0, 1, 0], [], []>, transpose_lhs_hint = false} : vector<1x128xf32>, vector<128x128xf32>, vector<1x128xf32> -> vector<1x128xf32>
    %slice3A_79 = vector.extract_strided_slice %reshape3A {offsets = [15, 0, 0], sizes = [1, 128, 128], strides = [1, 1, 1]} : vector<64x128x128xf32> to vector<1x128x128xf32>
    %squeeze3A_80 = vector.shape_cast %slice3A_79 : vector<1x128x128xf32> to vector<128x128xf32>
    %dot_general3A_81 = arith.constant dense<0.000000e+00> : vector<1x128xf32>
    %dot_general3A_82 = tpu.matmul %broadcast_in_dim3A_20, %squeeze3A_80, %dot_general3A_81 {dimension_numbers = #tpu.dot_dimension_numbers<[1], [1], [0], [0], [0, 0, 1, 0], [], []>, transpose_lhs_hint = false} : vector<1x128xf32>, vector<128x128xf32>, vector<1x128xf32> -> vector<1x128xf32>
    %slice3A_83 = vector.extract_strided_slice %reshape3A {offsets = [16, 0, 0], sizes = [1, 128, 128], strides = [1, 1, 1]} : vector<64x128x128xf32> to vector<1x128x128xf32>
    %squeeze3A_84 = vector.shape_cast %slice3A_83 : vector<1x128x128xf32> to vector<128x128xf32>
    %dot_general3A_85 = arith.constant dense<0.000000e+00> : vector<1x128xf32>
    %dot_general3A_86 = tpu.matmul %broadcast_in_dim3A_20, %squeeze3A_84, %dot_general3A_85 {dimension_numbers = #tpu.dot_dimension_numbers<[1], [1], [0], [0], [0, 0, 1, 0], [], []>, transpose_lhs_hint = false} : vector<1x128xf32>, vector<128x128xf32>, vector<1x128xf32> -> vector<1x128xf32>
    %slice3A_87 = vector.extract_strided_slice %reshape3A {offsets = [17, 0, 0], sizes = [1, 128, 128], strides = [1, 1, 1]} : vector<64x128x128xf32> to vector<1x128x128xf32>
    %squeeze3A_88 = vector.shape_cast %slice3A_87 : vector<1x128x128xf32> to vector<128x128xf32>
    %dot_general3A_89 = arith.constant dense<0.000000e+00> : vector<1x128xf32>
    %dot_general3A_90 = tpu.matmul %broadcast_in_dim3A_20, %squeeze3A_88, %dot_general3A_89 {dimension_numbers = #tpu.dot_dimension_numbers<[1], [1], [0], [0], [0, 0, 1, 0], [], []>, transpose_lhs_hint = false} : vector<1x128xf32>, vector<128x128xf32>, vector<1x128xf32> -> vector<1x128xf32>
    %slice3A_91 = vector.extract_strided_slice %reshape3A {offsets = [18, 0, 0], sizes = [1, 128, 128], strides = [1, 1, 1]} : vector<64x128x128xf32> to vector<1x128x128xf32>
    %squeeze3A_92 = vector.shape_cast %slice3A_91 : vector<1x128x128xf32> to vector<128x128xf32>
    %dot_general3A_93 = arith.constant dense<0.000000e+00> : vector<1x128xf32>
    %dot_general3A_94 = tpu.matmul %broadcast_in_dim3A_20, %squeeze3A_92, %dot_general3A_93 {dimension_numbers = #tpu.dot_dimension_numbers<[1], [1], [0], [0], [0, 0, 1, 0], [], []>, transpose_lhs_hint = false} : vector<1x128xf32>, vector<128x128xf32>, vector<1x128xf32> -> vector<1x128xf32>
    %slice3A_95 = vector.extract_strided_slice %reshape3A {offsets = [19, 0, 0], sizes = [1, 128, 128], strides = [1, 1, 1]} : vector<64x128x128xf32> to vector<1x128x128xf32>
    %squeeze3A_96 = vector.shape_cast %slice3A_95 : vector<1x128x128xf32> to vector<128x128xf32>
    %dot_general3A_97 = arith.constant dense<0.000000e+00> : vector<1x128xf32>
    %dot_general3A_98 = tpu.matmul %broadcast_in_dim3A_20, %squeeze3A_96, %dot_general3A_97 {dimension_numbers = #tpu.dot_dimension_numbers<[1], [1], [0], [0], [0, 0, 1, 0], [], []>, transpose_lhs_hint = false} : vector<1x128xf32>, vector<128x128xf32>, vector<1x128xf32> -> vector<1x128xf32>
    %slice3A_99 = vector.extract_strided_slice %reshape3A {offsets = [20, 0, 0], sizes = [1, 128, 128], strides = [1, 1, 1]} : vector<64x128x128xf32> to vector<1x128x128xf32>
    %squeeze3A_100 = vector.shape_cast %slice3A_99 : vector<1x128x128xf32> to vector<128x128xf32>
    %dot_general3A_101 = arith.constant dense<0.000000e+00> : vector<1x128xf32>
    %dot_general3A_102 = tpu.matmul %broadcast_in_dim3A_20, %squeeze3A_100, %dot_general3A_101 {dimension_numbers = #tpu.dot_dimension_numbers<[1], [1], [0], [0], [0, 0, 1, 0], [], []>, transpose_lhs_hint = false} : vector<1x128xf32>, vector<128x128xf32>, vector<1x128xf32> -> vector<1x128xf32>
    %slice3A_103 = vector.extract_strided_slice %reshape3A {offsets = [21, 0, 0], sizes = [1, 128, 128], strides = [1, 1, 1]} : vector<64x128x128xf32> to vector<1x128x128xf32>
    %squeeze3A_104 = vector.shape_cast %slice3A_103 : vector<1x128x128xf32> to vector<128x128xf32>
    %dot_general3A_105 = arith.constant dense<0.000000e+00> : vector<1x128xf32>
    %dot_general3A_106 = tpu.matmul %broadcast_in_dim3A_20, %squeeze3A_104, %dot_general3A_105 {dimension_numbers = #tpu.dot_dimension_numbers<[1], [1], [0], [0], [0, 0, 1, 0], [], []>, transpose_lhs_hint = false} : vector<1x128xf32>, vector<128x128xf32>, vector<1x128xf32> -> vector<1x128xf32>
    %slice3A_107 = vector.extract_strided_slice %reshape3A {offsets = [22, 0, 0], sizes = [1, 128, 128], strides = [1, 1, 1]} : vector<64x128x128xf32> to vector<1x128x128xf32>
    %squeeze3A_108 = vector.shape_cast %slice3A_107 : vector<1x128x128xf32> to vector<128x128xf32>
    %dot_general3A_109 = arith.constant dense<0.000000e+00> : vector<1x128xf32>
    %dot_general3A_110 = tpu.matmul %broadcast_in_dim3A_20, %squeeze3A_108, %dot_general3A_109 {dimension_numbers = #tpu.dot_dimension_numbers<[1], [1], [0], [0], [0, 0, 1, 0], [], []>, transpose_lhs_hint = false} : vector<1x128xf32>, vector<128x128xf32>, vector<1x128xf32> -> vector<1x128xf32>
    %slice3A_111 = vector.extract_strided_slice %reshape3A {offsets = [23, 0, 0], sizes = [1, 128, 128], strides = [1, 1, 1]} : vector<64x128x128xf32> to vector<1x128x128xf32>
    %squeeze3A_112 = vector.shape_cast %slice3A_111 : vector<1x128x128xf32> to vector<128x128xf32>
    %dot_general3A_113 = arith.constant dense<0.000000e+00> : vector<1x128xf32>
    %dot_general3A_114 = tpu.matmul %broadcast_in_dim3A_20, %squeeze3A_112, %dot_general3A_113 {dimension_numbers = #tpu.dot_dimension_numbers<[1], [1], [0], [0], [0, 0, 1, 0], [], []>, transpose_lhs_hint = false} : vector<1x128xf32>, vector<128x128xf32>, vector<1x128xf32> -> vector<1x128xf32>
    %slice3A_115 = vector.extract_strided_slice %reshape3A {offsets = [24, 0, 0], sizes = [1, 128, 128], strides = [1, 1, 1]} : vector<64x128x128xf32> to vector<1x128x128xf32>
    %squeeze3A_116 = vector.shape_cast %slice3A_115 : vector<1x128x128xf32> to vector<128x128xf32>
    %dot_general3A_117 = arith.constant dense<0.000000e+00> : vector<1x128xf32>
    %dot_general3A_118 = tpu.matmul %broadcast_in_dim3A_20, %squeeze3A_116, %dot_general3A_117 {dimension_numbers = #tpu.dot_dimension_numbers<[1], [1], [0], [0], [0, 0, 1, 0], [], []>, transpose_lhs_hint = false} : vector<1x128xf32>, vector<128x128xf32>, vector<1x128xf32> -> vector<1x128xf32>
    %slice3A_119 = vector.extract_strided_slice %reshape3A {offsets = [25, 0, 0], sizes = [1, 128, 128], strides = [1, 1, 1]} : vector<64x128x128xf32> to vector<1x128x128xf32>
    %squeeze3A_120 = vector.shape_cast %slice3A_119 : vector<1x128x128xf32> to vector<128x128xf32>
    %dot_general3A_121 = arith.constant dense<0.000000e+00> : vector<1x128xf32>
    %dot_general3A_122 = tpu.matmul %broadcast_in_dim3A_20, %squeeze3A_120, %dot_general3A_121 {dimension_numbers = #tpu.dot_dimension_numbers<[1], [1], [0], [0], [0, 0, 1, 0], [], []>, transpose_lhs_hint = false} : vector<1x128xf32>, vector<128x128xf32>, vector<1x128xf32> -> vector<1x128xf32>
    %slice3A_123 = vector.extract_strided_slice %reshape3A {offsets = [26, 0, 0], sizes = [1, 128, 128], strides = [1, 1, 1]} : vector<64x128x128xf32> to vector<1x128x128xf32>
    %squeeze3A_124 = vector.shape_cast %slice3A_123 : vector<1x128x128xf32> to vector<128x128xf32>
    %dot_general3A_125 = arith.constant dense<0.000000e+00> : vector<1x128xf32>
    %dot_general3A_126 = tpu.matmul %broadcast_in_dim3A_20, %squeeze3A_124, %dot_general3A_125 {dimension_numbers = #tpu.dot_dimension_numbers<[1], [1], [0], [0], [0, 0, 1, 0], [], []>, transpose_lhs_hint = false} : vector<1x128xf32>, vector<128x128xf32>, vector<1x128xf32> -> vector<1x128xf32>
    %slice3A_127 = vector.extract_strided_slice %reshape3A {offsets = [27, 0, 0], sizes = [1, 128, 128], strides = [1, 1, 1]} : vector<64x128x128xf32> to vector<1x128x128xf32>
    %squeeze3A_128 = vector.shape_cast %slice3A_127 : vector<1x128x128xf32> to vector<128x128xf32>
    %dot_general3A_129 = arith.constant dense<0.000000e+00> : vector<1x128xf32>
    %dot_general3A_130 = tpu.matmul %broadcast_in_dim3A_20, %squeeze3A_128, %dot_general3A_129 {dimension_numbers = #tpu.dot_dimension_numbers<[1], [1], [0], [0], [0, 0, 1, 0], [], []>, transpose_lhs_hint = false} : vector<1x128xf32>, vector<128x128xf32>, vector<1x128xf32> -> vector<1x128xf32>
    %slice3A_131 = vector.extract_strided_slice %reshape3A {offsets = [28, 0, 0], sizes = [1, 128, 128], strides = [1, 1, 1]} : vector<64x128x128xf32> to vector<1x128x128xf32>
    %squeeze3A_132 = vector.shape_cast %slice3A_131 : vector<1x128x128xf32> to vector<128x128xf32>
    %dot_general3A_133 = arith.constant dense<0.000000e+00> : vector<1x128xf32>
    %dot_general3A_134 = tpu.matmul %broadcast_in_dim3A_20, %squeeze3A_132, %dot_general3A_133 {dimension_numbers = #tpu.dot_dimension_numbers<[1], [1], [0], [0], [0, 0, 1, 0], [], []>, transpose_lhs_hint = false} : vector<1x128xf32>, vector<128x128xf32>, vector<1x128xf32> -> vector<1x128xf32>
    %slice3A_135 = vector.extract_strided_slice %reshape3A {offsets = [29, 0, 0], sizes = [1, 128, 128], strides = [1, 1, 1]} : vector<64x128x128xf32> to vector<1x128x128xf32>
    %squeeze3A_136 = vector.shape_cast %slice3A_135 : vector<1x128x128xf32> to vector<128x128xf32>
    %dot_general3A_137 = arith.constant dense<0.000000e+00> : vector<1x128xf32>
    %dot_general3A_138 = tpu.matmul %broadcast_in_dim3A_20, %squeeze3A_136, %dot_general3A_137 {dimension_numbers = #tpu.dot_dimension_numbers<[1], [1], [0], [0], [0, 0, 1, 0], [], []>, transpose_lhs_hint = false} : vector<1x128xf32>, vector<128x128xf32>, vector<1x128xf32> -> vector<1x128xf32>
    %slice3A_139 = vector.extract_strided_slice %reshape3A {offsets = [30, 0, 0], sizes = [1, 128, 128], strides = [1, 1, 1]} : vector<64x128x128xf32> to vector<1x128x128xf32>
    %squeeze3A_140 = vector.shape_cast %slice3A_139 : vector<1x128x128xf32> to vector<128x128xf32>
    %dot_general3A_141 = arith.constant dense<0.000000e+00> : vector<1x128xf32>
    %dot_general3A_142 = tpu.matmul %broadcast_in_dim3A_20, %squeeze3A_140, %dot_general3A_141 {dimension_numbers = #tpu.dot_dimension_numbers<[1], [1], [0], [0], [0, 0, 1, 0], [], []>, transpose_lhs_hint = false} : vector<1x128xf32>, vector<128x128xf32>, vector<1x128xf32> -> vector<1x128xf32>
    %slice3A_143 = vector.extract_strided_slice %reshape3A {offsets = [31, 0, 0], sizes = [1, 128, 128], strides = [1, 1, 1]} : vector<64x128x128xf32> to vector<1x128x128xf32>
    %squeeze3A_144 = vector.shape_cast %slice3A_143 : vector<1x128x128xf32> to vector<128x128xf32>
    %dot_general3A_145 = arith.constant dense<0.000000e+00> : vector<1x128xf32>
    %dot_general3A_146 = tpu.matmul %broadcast_in_dim3A_20, %squeeze3A_144, %dot_general3A_145 {dimension_numbers = #tpu.dot_dimension_numbers<[1], [1], [0], [0], [0, 0, 1, 0], [], []>, transpose_lhs_hint = false} : vector<1x128xf32>, vector<128x128xf32>, vector<1x128xf32> -> vector<1x128xf32>
    %slice3A_147 = vector.extract_strided_slice %reshape3A {offsets = [32, 0, 0], sizes = [1, 128, 128], strides = [1, 1, 1]} : vector<64x128x128xf32> to vector<1x128x128xf32>
    %squeeze3A_148 = vector.shape_cast %slice3A_147 : vector<1x128x128xf32> to vector<128x128xf32>
    %dot_general3A_149 = arith.constant dense<0.000000e+00> : vector<1x128xf32>
    %dot_general3A_150 = tpu.matmul %broadcast_in_dim3A_20, %squeeze3A_148, %dot_general3A_149 {dimension_numbers = #tpu.dot_dimension_numbers<[1], [1], [0], [0], [0, 0, 1, 0], [], []>, transpose_lhs_hint = false} : vector<1x128xf32>, vector<128x128xf32>, vector<1x128xf32> -> vector<1x128xf32>
    %slice3A_151 = vector.extract_strided_slice %reshape3A {offsets = [33, 0, 0], sizes = [1, 128, 128], strides = [1, 1, 1]} : vector<64x128x128xf32> to vector<1x128x128xf32>
    %squeeze3A_152 = vector.shape_cast %slice3A_151 : vector<1x128x128xf32> to vector<128x128xf32>
    %dot_general3A_153 = arith.constant dense<0.000000e+00> : vector<1x128xf32>
    %dot_general3A_154 = tpu.matmul %broadcast_in_dim3A_20, %squeeze3A_152, %dot_general3A_153 {dimension_numbers = #tpu.dot_dimension_numbers<[1], [1], [0], [0], [0, 0, 1, 0], [], []>, transpose_lhs_hint = false} : vector<1x128xf32>, vector<128x128xf32>, vector<1x128xf32> -> vector<1x128xf32>
    %slice3A_155 = vector.extract_strided_slice %reshape3A {offsets = [34, 0, 0], sizes = [1, 128, 128], strides = [1, 1, 1]} : vector<64x128x128xf32> to vector<1x128x128xf32>
    %squeeze3A_156 = vector.shape_cast %slice3A_155 : vector<1x128x128xf32> to vector<128x128xf32>
    %dot_general3A_157 = arith.constant dense<0.000000e+00> : vector<1x128xf32>
    %dot_general3A_158 = tpu.matmul %broadcast_in_dim3A_20, %squeeze3A_156, %dot_general3A_157 {dimension_numbers = #tpu.dot_dimension_numbers<[1], [1], [0], [0], [0, 0, 1, 0], [], []>, transpose_lhs_hint = false} : vector<1x128xf32>, vector<128x128xf32>, vector<1x128xf32> -> vector<1x128xf32>
    %slice3A_159 = vector.extract_strided_slice %reshape3A {offsets = [35, 0, 0], sizes = [1, 128, 128], strides = [1, 1, 1]} : vector<64x128x128xf32> to vector<1x128x128xf32>
    %squeeze3A_160 = vector.shape_cast %slice3A_159 : vector<1x128x128xf32> to vector<128x128xf32>
    %dot_general3A_161 = arith.constant dense<0.000000e+00> : vector<1x128xf32>
    %dot_general3A_162 = tpu.matmul %broadcast_in_dim3A_20, %squeeze3A_160, %dot_general3A_161 {dimension_numbers = #tpu.dot_dimension_numbers<[1], [1], [0], [0], [0, 0, 1, 0], [], []>, transpose_lhs_hint = false} : vector<1x128xf32>, vector<128x128xf32>, vector<1x128xf32> -> vector<1x128xf32>
    %slice3A_163 = vector.extract_strided_slice %reshape3A {offsets = [36, 0, 0], sizes = [1, 128, 128], strides = [1, 1, 1]} : vector<64x128x128xf32> to vector<1x128x128xf32>
    %squeeze3A_164 = vector.shape_cast %slice3A_163 : vector<1x128x128xf32> to vector<128x128xf32>
    %dot_general3A_165 = arith.constant dense<0.000000e+00> : vector<1x128xf32>
    %dot_general3A_166 = tpu.matmul %broadcast_in_dim3A_20, %squeeze3A_164, %dot_general3A_165 {dimension_numbers = #tpu.dot_dimension_numbers<[1], [1], [0], [0], [0, 0, 1, 0], [], []>, transpose_lhs_hint = false} : vector<1x128xf32>, vector<128x128xf32>, vector<1x128xf32> -> vector<1x128xf32>
    %slice3A_167 = vector.extract_strided_slice %reshape3A {offsets = [37, 0, 0], sizes = [1, 128, 128], strides = [1, 1, 1]} : vector<64x128x128xf32> to vector<1x128x128xf32>
    %squeeze3A_168 = vector.shape_cast %slice3A_167 : vector<1x128x128xf32> to vector<128x128xf32>
    %dot_general3A_169 = arith.constant dense<0.000000e+00> : vector<1x128xf32>
    %dot_general3A_170 = tpu.matmul %broadcast_in_dim3A_20, %squeeze3A_168, %dot_general3A_169 {dimension_numbers = #tpu.dot_dimension_numbers<[1], [1], [0], [0], [0, 0, 1, 0], [], []>, transpose_lhs_hint = false} : vector<1x128xf32>, vector<128x128xf32>, vector<1x128xf32> -> vector<1x128xf32>
    %slice3A_171 = vector.extract_strided_slice %reshape3A {offsets = [38, 0, 0], sizes = [1, 128, 128], strides = [1, 1, 1]} : vector<64x128x128xf32> to vector<1x128x128xf32>
    %squeeze3A_172 = vector.shape_cast %slice3A_171 : vector<1x128x128xf32> to vector<128x128xf32>
    %dot_general3A_173 = arith.constant dense<0.000000e+00> : vector<1x128xf32>
    %dot_general3A_174 = tpu.matmul %broadcast_in_dim3A_20, %squeeze3A_172, %dot_general3A_173 {dimension_numbers = #tpu.dot_dimension_numbers<[1], [1], [0], [0], [0, 0, 1, 0], [], []>, transpose_lhs_hint = false} : vector<1x128xf32>, vector<128x128xf32>, vector<1x128xf32> -> vector<1x128xf32>
    %slice3A_175 = vector.extract_strided_slice %reshape3A {offsets = [39, 0, 0], sizes = [1, 128, 128], strides = [1, 1, 1]} : vector<64x128x128xf32> to vector<1x128x128xf32>
    %squeeze3A_176 = vector.shape_cast %slice3A_175 : vector<1x128x128xf32> to vector<128x128xf32>
    %dot_general3A_177 = arith.constant dense<0.000000e+00> : vector<1x128xf32>
    %dot_general3A_178 = tpu.matmul %broadcast_in_dim3A_20, %squeeze3A_176, %dot_general3A_177 {dimension_numbers = #tpu.dot_dimension_numbers<[1], [1], [0], [0], [0, 0, 1, 0], [], []>, transpose_lhs_hint = false} : vector<1x128xf32>, vector<128x128xf32>, vector<1x128xf32> -> vector<1x128xf32>
    %slice3A_179 = vector.extract_strided_slice %reshape3A {offsets = [40, 0, 0], sizes = [1, 128, 128], strides = [1, 1, 1]} : vector<64x128x128xf32> to vector<1x128x128xf32>
    %squeeze3A_180 = vector.shape_cast %slice3A_179 : vector<1x128x128xf32> to vector<128x128xf32>
    %dot_general3A_181 = arith.constant dense<0.000000e+00> : vector<1x128xf32>
    %dot_general3A_182 = tpu.matmul %broadcast_in_dim3A_20, %squeeze3A_180, %dot_general3A_181 {dimension_numbers = #tpu.dot_dimension_numbers<[1], [1], [0], [0], [0, 0, 1, 0], [], []>, transpose_lhs_hint = false} : vector<1x128xf32>, vector<128x128xf32>, vector<1x128xf32> -> vector<1x128xf32>
    %slice3A_183 = vector.extract_strided_slice %reshape3A {offsets = [41, 0, 0], sizes = [1, 128, 128], strides = [1, 1, 1]} : vector<64x128x128xf32> to vector<1x128x128xf32>
    %squeeze3A_184 = vector.shape_cast %slice3A_183 : vector<1x128x128xf32> to vector<128x128xf32>
    %dot_general3A_185 = arith.constant dense<0.000000e+00> : vector<1x128xf32>
    %dot_general3A_186 = tpu.matmul %broadcast_in_dim3A_20, %squeeze3A_184, %dot_general3A_185 {dimension_numbers = #tpu.dot_dimension_numbers<[1], [1], [0], [0], [0, 0, 1, 0], [], []>, transpose_lhs_hint = false} : vector<1x128xf32>, vector<128x128xf32>, vector<1x128xf32> -> vector<1x128xf32>
    %slice3A_187 = vector.extract_strided_slice %reshape3A {offsets = [42, 0, 0], sizes = [1, 128, 128], strides = [1, 1, 1]} : vector<64x128x128xf32> to vector<1x128x128xf32>
    %squeeze3A_188 = vector.shape_cast %slice3A_187 : vector<1x128x128xf32> to vector<128x128xf32>
    %dot_general3A_189 = arith.constant dense<0.000000e+00> : vector<1x128xf32>
    %dot_general3A_190 = tpu.matmul %broadcast_in_dim3A_20, %squeeze3A_188, %dot_general3A_189 {dimension_numbers = #tpu.dot_dimension_numbers<[1], [1], [0], [0], [0, 0, 1, 0], [], []>, transpose_lhs_hint = false} : vector<1x128xf32>, vector<128x128xf32>, vector<1x128xf32> -> vector<1x128xf32>
    %slice3A_191 = vector.extract_strided_slice %reshape3A {offsets = [43, 0, 0], sizes = [1, 128, 128], strides = [1, 1, 1]} : vector<64x128x128xf32> to vector<1x128x128xf32>
    %squeeze3A_192 = vector.shape_cast %slice3A_191 : vector<1x128x128xf32> to vector<128x128xf32>
    %dot_general3A_193 = arith.constant dense<0.000000e+00> : vector<1x128xf32>
    %dot_general3A_194 = tpu.matmul %broadcast_in_dim3A_20, %squeeze3A_192, %dot_general3A_193 {dimension_numbers = #tpu.dot_dimension_numbers<[1], [1], [0], [0], [0, 0, 1, 0], [], []>, transpose_lhs_hint = false} : vector<1x128xf32>, vector<128x128xf32>, vector<1x128xf32> -> vector<1x128xf32>
    %slice3A_195 = vector.extract_strided_slice %reshape3A {offsets = [44, 0, 0], sizes = [1, 128, 128], strides = [1, 1, 1]} : vector<64x128x128xf32> to vector<1x128x128xf32>
    %squeeze3A_196 = vector.shape_cast %slice3A_195 : vector<1x128x128xf32> to vector<128x128xf32>
    %dot_general3A_197 = arith.constant dense<0.000000e+00> : vector<1x128xf32>
    %dot_general3A_198 = tpu.matmul %broadcast_in_dim3A_20, %squeeze3A_196, %dot_general3A_197 {dimension_numbers = #tpu.dot_dimension_numbers<[1], [1], [0], [0], [0, 0, 1, 0], [], []>, transpose_lhs_hint = false} : vector<1x128xf32>, vector<128x128xf32>, vector<1x128xf32> -> vector<1x128xf32>
    %slice3A_199 = vector.extract_strided_slice %reshape3A {offsets = [45, 0, 0], sizes = [1, 128, 128], strides = [1, 1, 1]} : vector<64x128x128xf32> to vector<1x128x128xf32>
    %squeeze3A_200 = vector.shape_cast %slice3A_199 : vector<1x128x128xf32> to vector<128x128xf32>
    %dot_general3A_201 = arith.constant dense<0.000000e+00> : vector<1x128xf32>
    %dot_general3A_202 = tpu.matmul %broadcast_in_dim3A_20, %squeeze3A_200, %dot_general3A_201 {dimension_numbers = #tpu.dot_dimension_numbers<[1], [1], [0], [0], [0, 0, 1, 0], [], []>, transpose_lhs_hint = false} : vector<1x128xf32>, vector<128x128xf32>, vector<1x128xf32> -> vector<1x128xf32>
    %slice3A_203 = vector.extract_strided_slice %reshape3A {offsets = [46, 0, 0], sizes = [1, 128, 128], strides = [1, 1, 1]} : vector<64x128x128xf32> to vector<1x128x128xf32>
    %squeeze3A_204 = vector.shape_cast %slice3A_203 : vector<1x128x128xf32> to vector<128x128xf32>
    %dot_general3A_205 = arith.constant dense<0.000000e+00> : vector<1x128xf32>
    %dot_general3A_206 = tpu.matmul %broadcast_in_dim3A_20, %squeeze3A_204, %dot_general3A_205 {dimension_numbers = #tpu.dot_dimension_numbers<[1], [1], [0], [0], [0, 0, 1, 0], [], []>, transpose_lhs_hint = false} : vector<1x128xf32>, vector<128x128xf32>, vector<1x128xf32> -> vector<1x128xf32>
    %slice3A_207 = vector.extract_strided_slice %reshape3A {offsets = [47, 0, 0], sizes = [1, 128, 128], strides = [1, 1, 1]} : vector<64x128x128xf32> to vector<1x128x128xf32>
    %squeeze3A_208 = vector.shape_cast %slice3A_207 : vector<1x128x128xf32> to vector<128x128xf32>
    %dot_general3A_209 = arith.constant dense<0.000000e+00> : vector<1x128xf32>
    %dot_general3A_210 = tpu.matmul %broadcast_in_dim3A_20, %squeeze3A_208, %dot_general3A_209 {dimension_numbers = #tpu.dot_dimension_numbers<[1], [1], [0], [0], [0, 0, 1, 0], [], []>, transpose_lhs_hint = false} : vector<1x128xf32>, vector<128x128xf32>, vector<1x128xf32> -> vector<1x128xf32>
    %slice3A_211 = vector.extract_strided_slice %reshape3A {offsets = [48, 0, 0], sizes = [1, 128, 128], strides = [1, 1, 1]} : vector<64x128x128xf32> to vector<1x128x128xf32>
    %squeeze3A_212 = vector.shape_cast %slice3A_211 : vector<1x128x128xf32> to vector<128x128xf32>
    %dot_general3A_213 = arith.constant dense<0.000000e+00> : vector<1x128xf32>
    %dot_general3A_214 = tpu.matmul %broadcast_in_dim3A_20, %squeeze3A_212, %dot_general3A_213 {dimension_numbers = #tpu.dot_dimension_numbers<[1], [1], [0], [0], [0, 0, 1, 0], [], []>, transpose_lhs_hint = false} : vector<1x128xf32>, vector<128x128xf32>, vector<1x128xf32> -> vector<1x128xf32>
    %slice3A_215 = vector.extract_strided_slice %reshape3A {offsets = [49, 0, 0], sizes = [1, 128, 128], strides = [1, 1, 1]} : vector<64x128x128xf32> to vector<1x128x128xf32>
    %squeeze3A_216 = vector.shape_cast %slice3A_215 : vector<1x128x128xf32> to vector<128x128xf32>
    %dot_general3A_217 = arith.constant dense<0.000000e+00> : vector<1x128xf32>
    %dot_general3A_218 = tpu.matmul %broadcast_in_dim3A_20, %squeeze3A_216, %dot_general3A_217 {dimension_numbers = #tpu.dot_dimension_numbers<[1], [1], [0], [0], [0, 0, 1, 0], [], []>, transpose_lhs_hint = false} : vector<1x128xf32>, vector<128x128xf32>, vector<1x128xf32> -> vector<1x128xf32>
    %slice3A_219 = vector.extract_strided_slice %reshape3A {offsets = [50, 0, 0], sizes = [1, 128, 128], strides = [1, 1, 1]} : vector<64x128x128xf32> to vector<1x128x128xf32>
    %squeeze3A_220 = vector.shape_cast %slice3A_219 : vector<1x128x128xf32> to vector<128x128xf32>
    %dot_general3A_221 = arith.constant dense<0.000000e+00> : vector<1x128xf32>
    %dot_general3A_222 = tpu.matmul %broadcast_in_dim3A_20, %squeeze3A_220, %dot_general3A_221 {dimension_numbers = #tpu.dot_dimension_numbers<[1], [1], [0], [0], [0, 0, 1, 0], [], []>, transpose_lhs_hint = false} : vector<1x128xf32>, vector<128x128xf32>, vector<1x128xf32> -> vector<1x128xf32>
    %slice3A_223 = vector.extract_strided_slice %reshape3A {offsets = [51, 0, 0], sizes = [1, 128, 128], strides = [1, 1, 1]} : vector<64x128x128xf32> to vector<1x128x128xf32>
    %squeeze3A_224 = vector.shape_cast %slice3A_223 : vector<1x128x128xf32> to vector<128x128xf32>
    %dot_general3A_225 = arith.constant dense<0.000000e+00> : vector<1x128xf32>
    %dot_general3A_226 = tpu.matmul %broadcast_in_dim3A_20, %squeeze3A_224, %dot_general3A_225 {dimension_numbers = #tpu.dot_dimension_numbers<[1], [1], [0], [0], [0, 0, 1, 0], [], []>, transpose_lhs_hint = false} : vector<1x128xf32>, vector<128x128xf32>, vector<1x128xf32> -> vector<1x128xf32>
    %slice3A_227 = vector.extract_strided_slice %reshape3A {offsets = [52, 0, 0], sizes = [1, 128, 128], strides = [1, 1, 1]} : vector<64x128x128xf32> to vector<1x128x128xf32>
    %squeeze3A_228 = vector.shape_cast %slice3A_227 : vector<1x128x128xf32> to vector<128x128xf32>
    %dot_general3A_229 = arith.constant dense<0.000000e+00> : vector<1x128xf32>
    %dot_general3A_230 = tpu.matmul %broadcast_in_dim3A_20, %squeeze3A_228, %dot_general3A_229 {dimension_numbers = #tpu.dot_dimension_numbers<[1], [1], [0], [0], [0, 0, 1, 0], [], []>, transpose_lhs_hint = false} : vector<1x128xf32>, vector<128x128xf32>, vector<1x128xf32> -> vector<1x128xf32>
    %slice3A_231 = vector.extract_strided_slice %reshape3A {offsets = [53, 0, 0], sizes = [1, 128, 128], strides = [1, 1, 1]} : vector<64x128x128xf32> to vector<1x128x128xf32>
    %squeeze3A_232 = vector.shape_cast %slice3A_231 : vector<1x128x128xf32> to vector<128x128xf32>
    %dot_general3A_233 = arith.constant dense<0.000000e+00> : vector<1x128xf32>
    %dot_general3A_234 = tpu.matmul %broadcast_in_dim3A_20, %squeeze3A_232, %dot_general3A_233 {dimension_numbers = #tpu.dot_dimension_numbers<[1], [1], [0], [0], [0, 0, 1, 0], [], []>, transpose_lhs_hint = false} : vector<1x128xf32>, vector<128x128xf32>, vector<1x128xf32> -> vector<1x128xf32>
    %slice3A_235 = vector.extract_strided_slice %reshape3A {offsets = [54, 0, 0], sizes = [1, 128, 128], strides = [1, 1, 1]} : vector<64x128x128xf32> to vector<1x128x128xf32>
    %squeeze3A_236 = vector.shape_cast %slice3A_235 : vector<1x128x128xf32> to vector<128x128xf32>
    %dot_general3A_237 = arith.constant dense<0.000000e+00> : vector<1x128xf32>
    %dot_general3A_238 = tpu.matmul %broadcast_in_dim3A_20, %squeeze3A_236, %dot_general3A_237 {dimension_numbers = #tpu.dot_dimension_numbers<[1], [1], [0], [0], [0, 0, 1, 0], [], []>, transpose_lhs_hint = false} : vector<1x128xf32>, vector<128x128xf32>, vector<1x128xf32> -> vector<1x128xf32>
    %slice3A_239 = vector.extract_strided_slice %reshape3A {offsets = [55, 0, 0], sizes = [1, 128, 128], strides = [1, 1, 1]} : vector<64x128x128xf32> to vector<1x128x128xf32>
    %squeeze3A_240 = vector.shape_cast %slice3A_239 : vector<1x128x128xf32> to vector<128x128xf32>
    %dot_general3A_241 = arith.constant dense<0.000000e+00> : vector<1x128xf32>
    %dot_general3A_242 = tpu.matmul %broadcast_in_dim3A_20, %squeeze3A_240, %dot_general3A_241 {dimension_numbers = #tpu.dot_dimension_numbers<[1], [1], [0], [0], [0, 0, 1, 0], [], []>, transpose_lhs_hint = false} : vector<1x128xf32>, vector<128x128xf32>, vector<1x128xf32> -> vector<1x128xf32>
    %slice3A_243 = vector.extract_strided_slice %reshape3A {offsets = [56, 0, 0], sizes = [1, 128, 128], strides = [1, 1, 1]} : vector<64x128x128xf32> to vector<1x128x128xf32>
    %squeeze3A_244 = vector.shape_cast %slice3A_243 : vector<1x128x128xf32> to vector<128x128xf32>
    %dot_general3A_245 = arith.constant dense<0.000000e+00> : vector<1x128xf32>
    %dot_general3A_246 = tpu.matmul %broadcast_in_dim3A_20, %squeeze3A_244, %dot_general3A_245 {dimension_numbers = #tpu.dot_dimension_numbers<[1], [1], [0], [0], [0, 0, 1, 0], [], []>, transpose_lhs_hint = false} : vector<1x128xf32>, vector<128x128xf32>, vector<1x128xf32> -> vector<1x128xf32>
    %slice3A_247 = vector.extract_strided_slice %reshape3A {offsets = [57, 0, 0], sizes = [1, 128, 128], strides = [1, 1, 1]} : vector<64x128x128xf32> to vector<1x128x128xf32>
    %squeeze3A_248 = vector.shape_cast %slice3A_247 : vector<1x128x128xf32> to vector<128x128xf32>
    %dot_general3A_249 = arith.constant dense<0.000000e+00> : vector<1x128xf32>
    %dot_general3A_250 = tpu.matmul %broadcast_in_dim3A_20, %squeeze3A_248, %dot_general3A_249 {dimension_numbers = #tpu.dot_dimension_numbers<[1], [1], [0], [0], [0, 0, 1, 0], [], []>, transpose_lhs_hint = false} : vector<1x128xf32>, vector<128x128xf32>, vector<1x128xf32> -> vector<1x128xf32>
    %slice3A_251 = vector.extract_strided_slice %reshape3A {offsets = [58, 0, 0], sizes = [1, 128, 128], strides = [1, 1, 1]} : vector<64x128x128xf32> to vector<1x128x128xf32>
    %squeeze3A_252 = vector.shape_cast %slice3A_251 : vector<1x128x128xf32> to vector<128x128xf32>
    %dot_general3A_253 = arith.constant dense<0.000000e+00> : vector<1x128xf32>
    %dot_general3A_254 = tpu.matmul %broadcast_in_dim3A_20, %squeeze3A_252, %dot_general3A_253 {dimension_numbers = #tpu.dot_dimension_numbers<[1], [1], [0], [0], [0, 0, 1, 0], [], []>, transpose_lhs_hint = false} : vector<1x128xf32>, vector<128x128xf32>, vector<1x128xf32> -> vector<1x128xf32>
    %slice3A_255 = vector.extract_strided_slice %reshape3A {offsets = [59, 0, 0], sizes = [1, 128, 128], strides = [1, 1, 1]} : vector<64x128x128xf32> to vector<1x128x128xf32>
    %squeeze3A_256 = vector.shape_cast %slice3A_255 : vector<1x128x128xf32> to vector<128x128xf32>
    %dot_general3A_257 = arith.constant dense<0.000000e+00> : vector<1x128xf32>
    %dot_general3A_258 = tpu.matmul %broadcast_in_dim3A_20, %squeeze3A_256, %dot_general3A_257 {dimension_numbers = #tpu.dot_dimension_numbers<[1], [1], [0], [0], [0, 0, 1, 0], [], []>, transpose_lhs_hint = false} : vector<1x128xf32>, vector<128x128xf32>, vector<1x128xf32> -> vector<1x128xf32>
    %slice3A_259 = vector.extract_strided_slice %reshape3A {offsets = [60, 0, 0], sizes = [1, 128, 128], strides = [1, 1, 1]} : vector<64x128x128xf32> to vector<1x128x128xf32>
    %squeeze3A_260 = vector.shape_cast %slice3A_259 : vector<1x128x128xf32> to vector<128x128xf32>
    %dot_general3A_261 = arith.constant dense<0.000000e+00> : vector<1x128xf32>
    %dot_general3A_262 = tpu.matmul %broadcast_in_dim3A_20, %squeeze3A_260, %dot_general3A_261 {dimension_numbers = #tpu.dot_dimension_numbers<[1], [1], [0], [0], [0, 0, 1, 0], [], []>, transpose_lhs_hint = false} : vector<1x128xf32>, vector<128x128xf32>, vector<1x128xf32> -> vector<1x128xf32>
    %slice3A_263 = vector.extract_strided_slice %reshape3A {offsets = [61, 0, 0], sizes = [1, 128, 128], strides = [1, 1, 1]} : vector<64x128x128xf32> to vector<1x128x128xf32>
    %squeeze3A_264 = vector.shape_cast %slice3A_263 : vector<1x128x128xf32> to vector<128x128xf32>
    %dot_general3A_265 = arith.constant dense<0.000000e+00> : vector<1x128xf32>
    %dot_general3A_266 = tpu.matmul %broadcast_in_dim3A_20, %squeeze3A_264, %dot_general3A_265 {dimension_numbers = #tpu.dot_dimension_numbers<[1], [1], [0], [0], [0, 0, 1, 0], [], []>, transpose_lhs_hint = false} : vector<1x128xf32>, vector<128x128xf32>, vector<1x128xf32> -> vector<1x128xf32>
    %slice3A_267 = vector.extract_strided_slice %reshape3A {offsets = [62, 0, 0], sizes = [1, 128, 128], strides = [1, 1, 1]} : vector<64x128x128xf32> to vector<1x128x128xf32>
    %squeeze3A_268 = vector.shape_cast %slice3A_267 : vector<1x128x128xf32> to vector<128x128xf32>
    %dot_general3A_269 = arith.constant dense<0.000000e+00> : vector<1x128xf32>
    %dot_general3A_270 = tpu.matmul %broadcast_in_dim3A_20, %squeeze3A_268, %dot_general3A_269 {dimension_numbers = #tpu.dot_dimension_numbers<[1], [1], [0], [0], [0, 0, 1, 0], [], []>, transpose_lhs_hint = false} : vector<1x128xf32>, vector<128x128xf32>, vector<1x128xf32> -> vector<1x128xf32>
    %slice3A_271 = vector.extract_strided_slice %reshape3A {offsets = [63, 0, 0], sizes = [1, 128, 128], strides = [1, 1, 1]} : vector<64x128x128xf32> to vector<1x128x128xf32>
    %squeeze3A_272 = vector.shape_cast %slice3A_271 : vector<1x128x128xf32> to vector<128x128xf32>
    %dot_general3A_273 = arith.constant dense<0.000000e+00> : vector<1x128xf32>
    %dot_general3A_274 = tpu.matmul %broadcast_in_dim3A_20, %squeeze3A_272, %dot_general3A_273 {dimension_numbers = #tpu.dot_dimension_numbers<[1], [1], [0], [0], [0, 0, 1, 0], [], []>, transpose_lhs_hint = false} : vector<1x128xf32>, vector<128x128xf32>, vector<1x128xf32> -> vector<1x128xf32>
    %concatenate3A = tpu.concatenate %dot_general3A_22, %dot_general3A_26, %dot_general3A_30, %dot_general3A_34, %dot_general3A_38, %dot_general3A_42, %dot_general3A_46, %dot_general3A_50, %dot_general3A_54, %dot_general3A_58, %dot_general3A_62, %dot_general3A_66, %dot_general3A_70, %dot_general3A_74, %dot_general3A_78, %dot_general3A_82, %dot_general3A_86, %dot_general3A_90, %dot_general3A_94, %dot_general3A_98, %dot_general3A_102, %dot_general3A_106, %dot_general3A_110, %dot_general3A_114, %dot_general3A_118, %dot_general3A_122, %dot_general3A_126, %dot_general3A_130, %dot_general3A_134, %dot_general3A_138, %dot_general3A_142, %dot_general3A_146, %dot_general3A_150, %dot_general3A_154, %dot_general3A_158, %dot_general3A_162, %dot_general3A_166, %dot_general3A_170, %dot_general3A_174, %dot_general3A_178, %dot_general3A_182, %dot_general3A_186, %dot_general3A_190, %dot_general3A_194, %dot_general3A_198, %dot_general3A_202, %dot_general3A_206, %dot_general3A_210, %dot_general3A_214, %dot_general3A_218, %dot_general3A_222, %dot_general3A_226, %dot_general3A_230, %dot_general3A_234, %dot_general3A_238, %dot_general3A_242, %dot_general3A_246, %dot_general3A_250, %dot_general3A_254, %dot_general3A_258, %dot_general3A_262, %dot_general3A_266, %dot_general3A_270, %dot_general3A_274 in 0 : vector<1x128xf32>, vector<1x128xf32>, vector<1x128xf32>, vector<1x128xf32>, vector<1x128xf32>, vector<1x128xf32>, vector<1x128xf32>, vector<1x128xf32>, vector<1x128xf32>, vector<1x128xf32>, vector<1x128xf32>, vector<1x128xf32>, vector<1x128xf32>, vector<1x128xf32>, vector<1x128xf32>, vector<1x128xf32>, vector<1x128xf32>, vector<1x128xf32>, vector<1x128xf32>, vector<1x128xf32>, vector<1x128xf32>, vector<1x128xf32>, vector<1x128xf32>, vector<1x128xf32>, vector<1x128xf32>, vector<1x128xf32>, vector<1x128xf32>, vector<1x128xf32>, vector<1x128xf32>, vector<1x128xf32>, vector<1x128xf32>, vector<1x128xf32>, vector<1x128xf32>, vector<1x128xf32>, vector<1x128xf32>, vector<1x128xf32>, vector<1x128xf32>, vector<1x128xf32>, vector<1x128xf32>, vector<1x128xf32>, vector<1x128xf32>, vector<1x128xf32>, vector<1x128xf32>, vector<1x128xf32>, vector<1x128xf32>, vector<1x128xf32>, vector<1x128xf32>, vector<1x128xf32>, vector<1x128xf32>, vector<1x128xf32>, vector<1x128xf32>, vector<1x128xf32>, vector<1x128xf32>, vector<1x128xf32>, vector<1x128xf32>, vector<1x128xf32>, vector<1x128xf32>, vector<1x128xf32>, vector<1x128xf32>, vector<1x128xf32>, vector<1x128xf32>, vector<1x128xf32>, vector<1x128xf32>, vector<1x128xf32> -> vector<64x128xf32>
    %reshape3A_275 = vector.shape_cast %reduce_sum3A_11 : vector<8192xf32> to vector<64x128xf32>
    %add3A = arith.addf %concatenate3A, %reshape3A_275 : vector<64x128xf32>
    %swap3A = arith.constant 0 : index
    %swap3A_276 = arith.constant 0 : index
    %swap3A_277 = vector.load %arg4[%swap3A, %swap3A_276] : memref<64x128xf32, #tpu.memory_space<vmem>>, vector<64x128xf32>
    tpu.vector_store %arg4[%swap3A, %swap3A_276], %add3A {strides = array<i32>} : memref<64x128xf32, #tpu.memory_space<vmem>>, vector<64x128xf32>,
    return
  }
  func.func @transform_0(%arg0: i32) -> (i32, i32) {
    %c0_i32 = arith.constant 0 : i32
    %c0_i32_0 = arith.constant 0 : i32
    return %c0_i32, %arg0 : i32, i32
  }
  func.func @transform_1(%arg0: i32) -> (i32, i32) {
    %c0_i32 = arith.constant 0 : i32
    %c0_i32_0 = arith.constant 0 : i32
    return %arg0, %c0_i32 : i32, i32
  }
  func.func @transform_2(%arg0: i32) -> (i32, i32) {
    %c0_i32 = arith.constant 0 : i32
    %c0_i32_0 = arith.constant 0 : i32
    return %arg0, %c0_i32 : i32, i32
  }
  func.func @transform_3(%arg0: i32) -> (i32, i32) {
    %c0_i32 = arith.constant 0 : i32
    %c0_i32_0 = arith.constant 0 : i32
    return %arg0, %c0_i32 : i32, i32
  }
}

module attributes {stable_mosaic.version = 14 : i64} {
  func.func @_final_body(%arg0: memref<2x4096xf32, #tpu.memory_space<vmem>>, %arg1: memref<2x4096xf32, #tpu.memory_space<vmem>>, %arg2: memref<13x4096xf32, #tpu.memory_space<vmem>>, %arg3: memref<1x1xf32, #tpu.memory_space<vmem>>) attributes {dimension_semantics = [], scalar_prefetch = 0 : i64, scratch_operands = 0 : i64, tpu.core_type = #tpu.core_type<tc>} {
    %get3A = arith.constant 0 : index
    %get3A_0 = arith.constant 0 : index
    %get3A_1 = vector.load %arg0[%get3A, %get3A_0] : memref<2x4096xf32, #tpu.memory_space<vmem>>, vector<2x4096xf32>
    %reduce_sum3A = arith.constant dense<0.000000e+00> : vector<4096xf32>
    %reduce_sum3A_2 = vector.multi_reduction <add>, %get3A_1, %reduce_sum3A [0] : vector<2x4096xf32> to vector<4096xf32>
    %get3A_3 = arith.constant 0 : index
    %get3A_4 = arith.constant 0 : index
    %get3A_5 = vector.load %arg1[%get3A_3, %get3A_4] : memref<2x4096xf32, #tpu.memory_space<vmem>>, vector<2x4096xf32>
    %reduce_sum3A_6 = arith.constant dense<0.000000e+00> : vector<4096xf32>
    %reduce_sum3A_7 = vector.multi_reduction <add>, %get3A_5, %reduce_sum3A_6 [0] : vector<2x4096xf32> to vector<4096xf32>
    %max3A = arith.constant 1.000000e+00 : f32
    %max3A_8 = vector.broadcast %max3A : f32 to vector<4096xf32>
    %max3A_9 = arith.maximumf %reduce_sum3A_7, %max3A_8 : vector<4096xf32>
    %div3A = arith.divf %reduce_sum3A_2, %max3A_9 : vector<4096xf32>
    %reduce_sum3A_10 = vector.shape_cast %div3A : vector<4096xf32> to vector<1x4096xf32>
    %reduce_sum3A_11 = arith.constant dense<0.000000e+00> : vector<1xf32>
    %reduce_sum3A_12 = vector.multi_reduction <add>, %reduce_sum3A_10, %reduce_sum3A_11 [1] : vector<1x4096xf32> to vector<1xf32>
    %reduce_sum3A_13 = vector.shape_cast %reduce_sum3A_12 : vector<1xf32> to vector<1x1xf32>
    %reduce_sum3A_14 = vector.extract %reduce_sum3A_13[0, 0] : f32 from vector<1x1xf32>
    %mul3A = arith.constant 2.44140625E-4 : f32
    %mul3A_15 = arith.mulf %reduce_sum3A_14, %mul3A : f32
    %get3A_16 = arith.constant 0 : index
    %get3A_17 = arith.constant 0 : index
    %get3A_18 = vector.load %arg2[%get3A_16, %get3A_17] : memref<13x4096xf32, #tpu.memory_space<vmem>>, vector<13x4096xf32>
    %slice3A = vector.extract_strided_slice %get3A_18 {offsets = [0, 0], sizes = [3, 4096], strides = [1, 1]} : vector<13x4096xf32> to vector<3x4096xf32>
    %slice3A_19 = vector.extract_strided_slice %get3A_18 {offsets = [3, 0], sizes = [1, 4096], strides = [1, 1]} : vector<13x4096xf32> to vector<1x4096xf32>
    %slice3A_20 = vector.extract_strided_slice %get3A_18 {offsets = [4, 0], sizes = [3, 4096], strides = [1, 1]} : vector<13x4096xf32> to vector<3x4096xf32>
    %slice3A_21 = vector.extract_strided_slice %get3A_18 {offsets = [7, 0], sizes = [3, 4096], strides = [1, 1]} : vector<13x4096xf32> to vector<3x4096xf32>
    %slice3A_22 = vector.extract_strided_slice %get3A_18 {offsets = [10, 0], sizes = [3, 4096], strides = [1, 1]} : vector<13x4096xf32> to vector<3x4096xf32>
    %mul3A_23 = arith.mulf %slice3A_19, %slice3A_19 : vector<1x4096xf32>
    %div3A_24 = vector.broadcast %mul3A_23 : vector<1x4096xf32> to vector<3x4096xf32>
    %div3A_25 = arith.divf %slice3A, %div3A_24 : vector<3x4096xf32>
    %sub3A = arith.subf %slice3A_21, %div3A_25 : vector<3x4096xf32>
    %mul3A_26 = arith.constant 5.000000e-01 : f32
    %mul3A_27 = vector.broadcast %mul3A_26 : f32 to vector<1x4096xf32>
    %mul3A_28 = arith.mulf %mul3A_27, %mul3A_23 : vector<1x4096xf32>
    %mul3A_29 = vector.broadcast %mul3A_28 : vector<1x4096xf32> to vector<3x4096xf32>
    %mul3A_30 = arith.mulf %mul3A_29, %sub3A : vector<3x4096xf32>
    %mul3A_31 = arith.mulf %mul3A_30, %sub3A : vector<3x4096xf32>
    %reduce_sum3A_32 = vector.shape_cast %mul3A_31 : vector<3x4096xf32> to vector<1x3x4096xf32>
    %reduce_sum3A_33 = arith.constant dense<0.000000e+00> : vector<1xf32>
    %reduce_sum3A_34 = vector.multi_reduction <add>, %reduce_sum3A_32, %reduce_sum3A_33 [1, 2] : vector<1x3x4096xf32> to vector<1xf32>
    %reduce_sum3A_35 = vector.shape_cast %reduce_sum3A_34 : vector<1xf32> to vector<1x1x1xf32>
    %reduce_sum3A_36 = vector.extract %reduce_sum3A_35[0, 0, 0] : f32 from vector<1x1x1xf32>
    %div3A_37 = arith.constant 1.228800e+04 : f32
    %div3A_38 = arith.divf %reduce_sum3A_36, %div3A_37 : f32
    %sub3A_39 = arith.subf %slice3A_22, %slice3A_20 : vector<3x4096xf32>
    %mul3A_40 = arith.mulf %sub3A_39, %sub3A_39 : vector<3x4096xf32>
    %reduce_sum3A_41 = vector.shape_cast %mul3A_40 : vector<3x4096xf32> to vector<1x3x4096xf32>
    %reduce_sum3A_42 = arith.constant dense<0.000000e+00> : vector<1xf32>
    %reduce_sum3A_43 = vector.multi_reduction <add>, %reduce_sum3A_41, %reduce_sum3A_42 [1, 2] : vector<1x3x4096xf32> to vector<1xf32>
    %reduce_sum3A_44 = vector.shape_cast %reduce_sum3A_43 : vector<1xf32> to vector<1x1x1xf32>
    %reduce_sum3A_45 = vector.extract %reduce_sum3A_44[0, 0, 0] : f32 from vector<1x1x1xf32>
    %div3A_46 = arith.constant 1.228800e+04 : f32
    %div3A_47 = arith.divf %reduce_sum3A_45, %div3A_46 : f32
    %add3A = arith.addf %mul3A_15, %div3A_38 : f32
    %add3A_48 = arith.addf %add3A, %div3A_47 : f32
    %broadcast_in_dim3A = vector.broadcast %add3A_48 : f32 to vector<1x1xf32>
    %swap3A = arith.constant 0 : index
    %swap3A_49 = arith.constant 0 : index
    %swap3A_50 = vector.load %arg3[%swap3A, %swap3A_49] : memref<1x1xf32, #tpu.memory_space<vmem>>, vector<1x1xf32>
    tpu.vector_store %arg3[%swap3A, %swap3A_49], %broadcast_in_dim3A {strides = array<i32>} : memref<1x1xf32, #tpu.memory_space<vmem>>, vector<1x1xf32>,
    return
  }
}

</mosaic_0001>

<sc_bundles>
// kernel: kernel.5.cloned.1.call-start
scs
__scs_entry_jumppad:
0x0: {  	(pc) =	sbr.rel $0x88, $3  }
0x1: {  	(tag) =	ssettag $0x0;
	lr =	simm.s32 $0x1  }
0x2: {  	[smem:$0x3F97] =	sst lr;
	_ =	strace $0xD0000000  }
0x3: {  	_ = 	snop  }
0x4: {  	_ = 	snop  }
0x5: {  	_ = 	snop  }
0x6: {  	_ = 	snop  }
0x7: {  	_ = 	snop  }
__scs_overlays_trampoline_lowered:
0x8: {  	[smem:$0x3FA6] =	sst s0  }
0x9: {  	[smem:$0x3FA7] =	sst s1  }
0xa: {  	[smem:$0x3FA8] =	sst s2  }
0xb: {  	[smem:$0x3FA9] =	sst s3  }
0xc: {  	[smem:$0x3FAA] =	sst s4  }
0xd: {  	[smem:$0x3FAB] =	sst s5  }
0xe: {  	[smem:$0x3FAC] =	sst s6  }
0xf: {  	[smem:$0x3FAD] =	sst s7  }
0x10: {  	[smem:$0x3FAE] =	sst s8  }
0x11: {  	[smem:$0x3FAF] =	sst s9;
	s0 =	simm.s32 @!p0 $0x0  }
0x12: {  	s1 =	sld [smem:$0x3F95];
	s0 =	simm.s32 @p0 $0x1  }
0x13: {  	[smem:$0x3FB0] =	sst s0;
	s0 =	simm.s32 @!p1 $0x0  }
0x14: {  	s2 =	sld [smem:$0x3F94];
	s0 =	simm.s32 @p1 $0x1  }
0x15: {  	[smem:$0x3FB1] =	sst s0;
	s0 =	simm.s32 @!p2 $0x0  }
0x16: {  	s3 =	sld [smem:$0x3FDB];
	s0 =	simm.s32 @p2 $0x1  }
0x17: {  	s4 =	simm.s32 $0x1BF5;
	[smem:$0x3FB3] =	sst s0  }
0x18: {  	s0 =	sld [smem:$0x3F96];
	_ =	swait.ge [sflag:s4], $0x0  }
0x19: {  	s7 =	sld [smem:$0x3F97]  }
0x1a: {  	s8 =	sadd.s32 $0xFFFFE003, lr  }
0x1b: {  	s9 =	sadd.s32 $0xFFFFFEF7, lr;
	s5 =	simm.s32 $0xFFFFFFFF;
	p2 =	slt.u32 s8, $0xFFFFF086  }
0x1c: {  	p1 =	slt.u32 s9, $0xF7A;
	s5 =	simm.s32 @!p2 $0x0  }
0x1d: {  	s5 =	simm.s32 @p1 $0x1;
	p0 =	seq.s32 s7, s2  }
0x1e: {  	s7 =	smul.u32 @!p0 $0xF7A, s2;
	p2 =	seq.s32 @!p0 s5, $0x0  }
0x1f: {  	s9 =	smul.u32 $0xF7A, s1;
	s8 =	simm.s32 @!p0 $0x1BF5;
	p2 =	por !p2, p0  }
0x20: {  	[sflag:s8] =	ssyncset.s32 @!p0 $0xFFFFF086;
	s6 =	sadd.s32 @!p0 s3, s7;
	s7 =	simm.s32 @!p0 $0x108  }
0x21: {  	s3 =	sadd.s32 s3, s9;
	s6 =	sadd.s32 @!p0 $0x88, s6;
	s7 =	simm.s32 @p2 $0x1082  }
0x22: {  	[simem:s7], [sflag:s8] =	dma.local @!p0 [hbm:s6], $0xF7A  }
0x23: {  	s9 =	sor.u32 $0xD0000000, s2;
	s6 =	simm.s32 $0x108;
	_ =	swait.ge @!p0 [sflag:s8], $0x0  }
0x24: {  	s3 =	sadd.s32 $0x88, s3;
	s6 =	simm.s32 @!p1 $0x1082;
	[sflag:s4] =	ssyncset.s32 $0xFFFFF086  }
0x25: {  	[simem:s6], [sflag:s4] =	dma.local [hbm:s3], $0xF7A  }
0x26: {  	[smem:$0x3F97] =	sst s1;
	(tag) =	ssettag s2;
	_ =	strace s9  }
0x27: {  	s1 =	sld [smem:$0x3FA7]  }
0x28: {  	s2 =	sld [smem:$0x3FA8]  }
0x29: {  	s4 =	sld [smem:$0x3FAA]  }
0x2a: {  	p0 =	seq.s32 s5, $0x0;
	s5 =	sld [smem:$0x3FAB]  }
0x2b: {  	s6 =	sld [smem:$0x3FAC]  }
0x2c: {  	s7 =	sld [smem:$0x3FAD]  }
0x2d: {  	s3 =	simm.s32 $0x108;
	s8 =	sld [smem:$0x3FAE]  }
0x2e: {  	s3 =	simm.s32 @!p0 $0x1082;
	s9 =	sld [smem:$0x3FAF]  }
0x2f: {  	lr =	sadd.s32 s0, s3;
	s0 =	sld [smem:$0x3FA6]  }
0x30: {  	s3 =	sld [smem:$0x3FA9]  }
0x31: {  	[smem:$0x3FB2] =	sst s10  }
0x32: {  	s10 =	sld [smem:$0x3FB0];
	_ =	sdelay $0x3  }
0x33: {  	p0 =	seq.s32 s10, $0x1;
	s10 =	sld [smem:$0x3FB2];
	_ =	sdelay $0x3  }
0x34: {  	[smem:$0x3FB2] =	sst s10  }
0x35: {  	s10 =	sld [smem:$0x3FB1];
	_ =	sdelay $0x3  }
0x36: {  	p1 =	seq.s32 s10, $0x1;
	s10 =	sld [smem:$0x3FB2];
	_ =	sdelay $0x3  }
0x37: {  	[smem:$0x3FB2] =	sst s10  }
0x38: {  	s10 =	sld [smem:$0x3FB3]  }
0x39: {  	_ = 	snop;
	(pc) =	sbr.ind lr, $3  }
0x3a: {  	_ = 	snop  }
0x3b: {  	_ = 	snop  }
0x3c: {  	p2 =	seq.s32 s10, $0x1;
	s10 =	sld [smem:$0x3FB2]  }
0x3d: {  	_ =	shalt  }
0x3e: {  	_ =	shalt  }
0x3f: {  	_ =	shalt  }
0x40: {  	_ =	shalt  }
0x41: {  	_ =	shalt  }
0x42: {  	_ =	shalt  }
0x43: {  	_ =	shalt  }
0x44: {  	_ =	shalt  }
0x45: {  	_ =	shalt  }
0x46: {  	_ =	shalt  }
0x47: {  	_ =	shalt  }
0x48: {  	_ =	shalt  }
0x49: {  	_ =	shalt  }
0x4a: {  	_ =	shalt  }
0x4b: {  	_ =	shalt  }
0x4c: {  	_ =	shalt  }
0x4d: {  	_ =	shalt  }
0x4e: {  	_ =	shalt  }
0x4f: {  	_ =	shalt  }
0x50: {  	_ =	shalt  }
0x51: {  	_ =	shalt  }
0x52: {  	_ =	shalt  }
0x53: {  	_ =	shalt  }
0x54: {  	_ =	shalt  }
0x55: {  	_ =	shalt  }
0x56: {  	_ =	shalt  }
0x57: {  	_ =	shalt  }
0x58: {  	_ =	shalt  }
0x59: {  	_ =	shalt  }
0x5a: {  	_ =	shalt  }
0x5b: {  	_ =	shalt  }
0x5c: {  	_ =	shalt  }
0x5d: {  	_ =	shalt  }
0x5e: {  	_ =	shalt  }
0x5f: {  	_ =	shalt  }
0x60: {  	_ =	shalt  }
0x61: {  	_ =	shalt  }
0x62: {  	_ =	shalt  }
0x63: {  	_ =	shalt  }
0x64: {  	_ =	shalt  }
0x65: {  	_ =	shalt  }
0x66: {  	_ =	shalt  }
0x67: {  	_ =	shalt  }
0x68: {  	_ =	shalt  }
0x69: {  	_ =	shalt  }
0x6a: {  	_ =	shalt  }
0x6b: {  	_ =	shalt  }
0x6c: {  	_ =	shalt  }
0x6d: {  	_ =	shalt  }
0x6e: {  	_ =	shalt  }
0x6f: {  	_ =	shalt  }
0x70: {  	_ =	shalt  }
0x71: {  	_ =	shalt  }
0x72: {  	_ =	shalt  }
0x73: {  	_ =	shalt  }
0x74: {  	_ =	shalt  }
0x75: {  	_ =	shalt  }
0x76: {  	_ =	shalt  }
0x77: {  	_ =	shalt  }
0x78: {  	_ =	shalt  }
0x79: {  	_ =	shalt  }
0x7a: {  	_ =	shalt  }
0x7b: {  	_ =	shalt  }
0x7c: {  	_ =	shalt  }
0x7d: {  	_ =	shalt  }
0x7e: {  	_ =	shalt  }
0x7f: {  	_ =	shalt  }
0x80: {  	_ =	shalt  }
0x81: {  	_ =	shalt  }
0x82: {  	_ =	shalt  }
0x83: {  	_ =	shalt  }
0x84: {  	_ =	shalt  }
0x85: {  	_ =	shalt  }
0x86: {  	_ =	shalt  }
0x87: {  	_ =	shalt  }
.Lfunc_end0:
.L_simem_size_0:
called_computation_lowered:
.L_overlay_start_0:
0x88: {  	s2 =	sld [smem:$0x3FD9]  }
0x89: {  	s3 =	sld [smem:$0x3FFE];
	_ =	sdelay $0x1  }
0x8a: {  	s1 =	srdreg.scid  }
0x8b: {  	s0 =	sand.u32 $0x1, s1  }
0x8c: {  	s17 =	sshll.u32 s0, $0xA;
	s2 =	sadd.s32 s3, s2  }
0x8d: {  	s2 =	sadd.s32 s2, s17  }
0x8e: {  	[smem:$0x3FBE] =	sst s2  }
0x8f: {  	_ = 	snop  }
0x90: {  	s2 =	sld [smem:$0x3FC4];
	(tm) =	ssettm $0x1  }
0x91: {  	s18 =	sld [smem:$0x3FFB];
	_ =	sdelay $0x3  }
0x92: {  	_ =	strace s18  }
0x93: {  	s3 =	sld [smem:$0x3FFC];
	_ =	sdelay $0x3  }
0x94: {  	_ =	strace s3  }
0x95: {  	s3 =	sld [smem:$0x3FFD];
	_ =	sdelay $0x3  }
0x96: {  	_ =	strace s3  }
0x97: {  	_ =	strace $0x8FFFFFFF  }
0x98: {  	s19 =	sld [smem:$0x3FDB];
	_ =	sdelay $0x1  }
0x99: {  	s4 =	simm.s32 $_scs_section_size  }
0x9a: {  	s5 =	simm.s32 $_size__tile_overlayer_lowered;
	s6 =	simm.s32 $_tile_overlayer_lowered  }
0x9b: {  	s22 =	simm.s32 $0x1BFF;
	s21 =	sshll.u32 s6, $0x1;
	s3 =	sadd.s32 s4, s19  }
0x9c: {  	s7 =	simm.s32 $0x0;
	s20 =	sshll.u32 s5, $0x1;
	s5 =	sadd.s32 s21, s3  }
0x9d: {  	[timem:s7], [sflag:s22] =	dma.local [hbm:s5], s20  }
0x9e: {  	_ =	swait.ge [sflag:s22], s20  }
0x9f: {  	s4 =	ssub.s32 $0x0, s20;
	[sflag:s22] =	ssyncset.done $0x0  }
0xa0: {  	[sflag:s22] =	ssyncadd.s32 s4;
	_ =	sdelay $0x1  }
0xa1: {  	s23 =	simm.s32 $0x1B8B  }
0xa2: {  	_ =	swait.ge [sflag:s23], $0x1  }
0xa3: {  	[sflag:s23] =	ssyncset.done $0x0  }
0xa4: {  	s25 =	simm.s32 $0x1B8E;
	s24 =	sld [smem:$0x3FFE];
	[sflag:s23] =	ssyncadd.s32 $0xFFFFFFFF  }
0xa5: {  	s26 =	simm.s32 $execute0_lowered;
	[smem:$0x3FD2] =	sst s25  }
0xa6: {  	s5 =	sshll.u32 s26, $0x1;
	_ =	strace $0x80000046;
	[dreg:$0x1] =	wrdreg $0xFFFFFFFF  }
0xa7: {  	s28 =	simm.s32 $_size_execute0_lowered;
	s3 =	sadd.s32 s3, s5;
	[dreg:$0x0] =	wrdreg $0x0  }
0xa8: {  	s5 =	sshll.u32 s28, $0x1;
	[dreg:$0x2] =	wrdreg s3  }
0xa9: {  	[dreg:$0x3] =	wrdreg s5  }
0xaa: {  	[dreg:$0x4] =	wrdreg $0xC0  }
0xab: {  	_ =	task [dreg:s7], $0x5FFFF  }
0xac: {  	[dreg:$0x1] =	wrdreg $0xFFFFFFFF  }
0xad: {  	[dreg:$0x0] =	wrdreg $0x60  }
0xae: {  	[dreg:$0x2] =	wrdreg s24  }
0xaf: {  	[dreg:$0x3] =	wrdreg s2  }
0xb0: {  	[dreg:$0x4] =	wrdreg $0x60000  }
0xb1: {  	[dreg:$0x5] =	wrdreg $0x61000  }
0xb2: {  	[dreg:$0x6] =	wrdreg $0x9  }
0xb3: {  	_ =	task.clear_ibuf [dreg:s7], $0x7FFFF;
	_ =	strace $0x90000046  }
0xb4: {  	s29 =	simm.s32 $0x9;
	_ =	strace $0x80000048  }
0xb5: {  	_ =	swait.ge [sflag:s29], $0x1  }
0xb6: {  	[sflag:s29] =	ssyncadd.s32 $0xFFFFFFFF  }
0xb7: {  	_ =	strace $0x90000048  }
0xb8: {  	_ =	sfence  }
0xb9: {  	s30 =	sld [smem:$0x0];
	_ =	sdelay $0x2  }
0xba: {  	s31 =	sshll.u32 s1, $0xD;
	s1 =	sshrl.u32 s1, $0x2  }
0xbb: {  	s3 =	sand.u32 $0x4000, s31;
	s1 =	sadd.s32 s1, s30  }
0xbc: {  	s0 =	sor.u32 s3, s0;
	s1 =	sshll.u32 s1, $0x11  }
0xbd: {  	s0 =	sor.u32 s1, s0  }
0xbe: {  	s0 =	sadd.s32 $0x8F2B, s0  }
0xbf: {  	[sflag:s0] =	ssyncadd.remote.s32 $0x1  }
0xc0: {  	_ =	sfence.sel $0xFFFF  }
0xc1: {  	[dreg:$0x0] =	wrdreg $0xFFFFFFFF;
	(pc) =	sbr.abs _section_cstart, $3  }
0xc2: {  	[dreg:$0x1] =	wrdreg $0xFFFFFFFF  }
0xc3: {  	_ =	task.clear_ibuf [dreg:s7], $0x2FFFF;
	_ =	strace $0x9FFFFFFF  }
0xc4: {  	(tm) =	ssettm $0x7FFFFFFF  }
0xc5: {  	_ =	shalt  }
tec
execute0_lowered:
.L_overlay_start_1:
0x0: {  	(tag) =	ssettag $0x1  }
0x1: {  	s16 =	rddreg [dreg:$0x0]  }
0x2: {  	s7 =	rddreg [dreg:$0x1]  }
0x3: {  	s1 =	rddreg [dreg:$0x2];
	s3 =	srdreg.scid  }
0x4: {  	s2 =	rddreg [dreg:$0x3];
	s8 =	stileid.u32;
	s17 =	sand.u32 $0x1, s3  }
0x5: {  	s0 =	rddreg [dreg:$0x4];
	s4 =	sshll.u32 s8, $0xB;
	s5 =	sshll.u32 s17, $0xA  }
0x6: {  	s10 =	simm.s32 $0x4000;
	s3 =	simm.s32 $0x0;
	s9 =	sor.u32 s5, s4  }
0x7: {  	p0 =	sne.s32 s8, $0x0;
	[smem:$0x7FF] =	sst s3;
	s6 =	sadd.s32 s9, s16  }
0x8: {  	s8 =	simm.s32 $0x2000;
	_ =	strace $0x80000047;
	s6 =	sadd.s32 $0x1600, s6  }
0x9: {  	[tilespmem:s3], [sflag:$0x1] =	stream.linear.gather [hbm4b:s6+s3], $0x2000, $0x38;
	[tilespmem:$0x6200] =	vst v63  }
0xa: {  	s11 =	sshrl.u32 @!p0 s1, $0x3;
	s12 =	simm.s32 @!p0 $0x1C02;
	s7 =	sadd.s32 s7, s9  }
0xb: {  	[tilespmem:s8], [sflag:$0x1] =	stream.linear.gather [hbm4b:s7+s3], $0x2000, $0x38;
	[tilespmem:$0x6200] =	vst v63  }
0xc: {  	s4 =	sadd.s32 $0x9600, s16;
	s5 =	sadd.s32 $0x9A00, s16;
	s9 =	simm.s32 @!p0 $0x2  }
0xd: {  	[tilespmem:s10], [sflag:$0x1] =	stream.linear.gather [hbm4b:s4+s3], $0x2000, $0x38;
	[tilespmem:$0x6200] =	vst v63  }
0xe: {  	[spmem:s11], [sflag:s12] =	dma.local @!p0 [hbm:s5], $0x200  }
0xf: {  	_ =	swait.ge @!p0 [sflag:s9], $0x200  }
0x10: {  	[sflag:s9] =	ssyncset.done @!p0 $0x0  }
0x11: {  	s13 =	sshrl.u32 @!p0 s2, $0x3;
	[sflag:s9] =	ssyncadd.s32 @!p0 $0xFFFFFE00  }
0x12: {  	[spmem:s13], [sflag:s12] =	dma.local @!p0 [hbm:s5], $0x200  }
0x13: {  	_ =	swait.ge @!p0 [sflag:s9], $0x200  }
0x14: {  	[sflag:s9] =	ssyncset.done @!p0 $0x0  }
0x15: {  	s14 =	simm.s32 $0x1;
	[sflag:s9] =	ssyncadd.s32 @!p0 $0xFFFFFE00  }
0x16: {  	_ =	swait.ge [sflag:s14], $0x2000  }
0x17: {  	[sflag:s14] =	ssyncset.done $0x0  }
0x18: {  	[sflag:s14] =	ssyncadd.s32 $0xFFFFE000  }
0x19: {  	_ =	swait.ge [sflag:s14], $0x2000  }
0x1a: {  	[sflag:s14] =	ssyncset.done $0x0  }
0x1b: {  	[sflag:s14] =	ssyncadd.s32 $0xFFFFE000  }
0x1c: {  	_ =	swait.ge [sflag:s14], $0x2000  }
0x1d: {  	[sflag:s14] =	ssyncset.done $0x0  }
0x1e: {  	[sflag:s14] =	ssyncadd.s32 $0xFFFFE000  }
0x1f: {  	s15 =	simm.s32 $0x2;
	[bflag:$0x0] =	sbarrier.arrive $0xFFFF  }
0x20: {  	[spmem:s1] =	stream.indirect.scatter.add.f32 [tilespmem:s3], [sflag:$0x2], $0x1, s8, s8, $0xb8;
	[tilespmem:$0x6200] =	vst v63  }
0x21: {  	_ =	swait.ge [sflag:s15], $0x2000  }
0x22: {  	s18 =	sshll.u32 s17, $0x4;
	s20 =	ssub.s32 $0x2, s17;
	[sflag:s15] =	ssyncset.done $0x0  }
0x23: {  	s17 =	simm.s32 @!p0 $0x10;
	s19 =	simm.s32 @!p0 $0x20;
	[sflag:s15] =	ssyncadd.s32 $0xFFFFE000  }
0x24: {  	[spmem:s2] =	stream.indirect.scatter.add.f32 [tilespmem:s10], [sflag:$0x2], $0x1, s8, s8, $0xb8;
	[tilespmem:$0x6200] =	vst v63  }
0x25: {  	s21 =	sadd.s32 s18, s16;
	s22 =	sshrl.u32 s20, $0x1;
	_ =	swait.ge [sflag:s15], $0x2000  }
0x26: {  	s18 =	simm.s32 @!p0 $0x1;
	s20 =	ssub.s32 s20, s22;
	[sflag:s15] =	ssyncset.done $0x0  }
0x27: {  	s16 =	sadd.s32 $0x9C00, s21;
	s22 =	smax.u32 s20, $0x1;
	[sflag:s15] =	ssyncadd.s32 $0xFFFFE000  }
0x28: {  	s20 =	sadd.s32 $0xA000, s21;
	s21 =	sadd.s32 $0xFFFFFFFF, s22;
	[bflag:$0x0] =	sbarrier.arrive $0xFFFF  }
0x29: {  	[hbm:s16@s19], [sflag:s12] =	dma.strided @!p0 [spmem:s11@s17], $0x200, s18, $0x10   }
0x2a: {  	p1 =	sne.s32 s21, $0x0;
	_ =	swait.ge @!p0 [sflag:s9], $0x200  }
.Ltmp0:
0x2b: {  	[sflag:s9] =	ssyncset.done @!p0 $0x0;
	(pc) =	sbr.rel @!p1 .LBB2_2-.Ltmp0, $4  }
0x2c: {  	[sflag:s9] =	ssyncadd.s32 @!p0 $0xFFFFFE00  }
0x2d: {  	[hbm:s20@s19], [sflag:s12] =	dma.strided @!p0 [spmem:s13@s17], $0x200, s18, $0x10   }
0x2e: {  	_ =	swait.ge @!p0 [sflag:s9], $0x200  }
0x2f: {  	[sflag:s9] =	ssyncset.done @!p0 $0x0  }
.LBB2_1:
0x30: {  	s21 =	sadd.s32 $0xFFFFFFFF, s21;
	[sflag:s9] =	ssyncadd.s32 @!p0 $0xFFFFFE00  }
0x31: {  	[tilespmem:s3], [sflag:$0x1] =	stream.linear.gather [hbm4b:s6+s3], $0x2000, $0x38;
	[tilespmem:$0x6200] =	vst v63  }
0x32: {  	p1 =	sne.s32 s21, $0x0  }
0x33: {  	[tilespmem:s8], [sflag:$0x1] =	stream.linear.gather [hbm4b:s7+s3], $0x2000, $0x38;
	[tilespmem:$0x6200] =	vst v63  }
0x34: {  	_ = 	snop  }
0x35: {  	[tilespmem:s10], [sflag:$0x1] =	stream.linear.gather [hbm4b:s4+s3], $0x2000, $0x38;
	[tilespmem:$0x6200] =	vst v63  }
0x36: {  	[spmem:s11], [sflag:s12] =	dma.local @!p0 [hbm:s5], $0x200  }
0x37: {  	_ =	swait.ge @!p0 [sflag:s9], $0x200  }
0x38: {  	[sflag:s9] =	ssyncset.done @!p0 $0x0  }
0x39: {  	[sflag:s9] =	ssyncadd.s32 @!p0 $0xFFFFFE00  }
0x3a: {  	[spmem:s13], [sflag:s12] =	dma.local @!p0 [hbm:s5], $0x200  }
0x3b: {  	_ =	swait.ge @!p0 [sflag:s9], $0x200  }
0x3c: {  	[sflag:s9] =	ssyncset.done @!p0 $0x0  }
0x3d: {  	[sflag:s9] =	ssyncadd.s32 @!p0 $0xFFFFFE00  }
0x3e: {  	_ =	swait.ge [sflag:s14], $0x2000  }
0x3f: {  	[sflag:s14] =	ssyncset.done $0x0  }
0x40: {  	[sflag:s14] =	ssyncadd.s32 $0xFFFFE000  }
0x41: {  	_ =	swait.ge [sflag:s14], $0x2000  }
0x42: {  	[sflag:s14] =	ssyncset.done $0x0  }
0x43: {  	[sflag:s14] =	ssyncadd.s32 $0xFFFFE000  }
0x44: {  	_ =	swait.ge [sflag:s14], $0x2000  }
0x45: {  	[sflag:s14] =	ssyncset.done $0x0  }
0x46: {  	[sflag:s14] =	ssyncadd.s32 $0xFFFFE000  }
0x47: {  	[bflag:$0x0] =	sbarrier.arrive $0xFFFF  }
0x48: {  	[spmem:s1] =	stream.indirect.scatter.add.f32 [tilespmem:s3], [sflag:$0x2], $0x1, s8, s8, $0xb8;
	[tilespmem:$0x6200] =	vst v63  }
0x49: {  	_ =	swait.ge [sflag:s15], $0x2000  }
0x4a: {  	[sflag:s15] =	ssyncset.done $0x0  }
0x4b: {  	[sflag:s15] =	ssyncadd.s32 $0xFFFFE000  }
0x4c: {  	[spmem:s2] =	stream.indirect.scatter.add.f32 [tilespmem:s10], [sflag:$0x2], $0x1, s8, s8, $0xb8;
	[tilespmem:$0x6200] =	vst v63  }
0x4d: {  	_ =	swait.ge [sflag:s15], $0x2000  }
0x4e: {  	[sflag:s15] =	ssyncset.done $0x0  }
0x4f: {  	[sflag:s15] =	ssyncadd.s32 $0xFFFFE000  }
0x50: {  	[bflag:$0x0] =	sbarrier.arrive $0xFFFF  }
0x51: {  	[hbm:s16@s19], [sflag:s12] =	dma.strided @!p0 [spmem:s11@s17], $0x200, s18, $0x10   }
0x52: {  	_ =	swait.ge @!p0 [sflag:s9], $0x200  }
.Ltmp1:
0x53: {  	[sflag:s9] =	ssyncset.done @!p0 $0x0;
	(pc) =	sbr.rel @p1 .LBB2_1-.Ltmp1, $4  }
0x54: {  	[sflag:s9] =	ssyncadd.s32 @!p0 $0xFFFFFE00  }
0x55: {  	[hbm:s20@s19], [sflag:s12] =	dma.strided @!p0 [spmem:s13@s17], $0x200, s18, $0x10   }
0x56: {  	_ =	swait.ge @!p0 [sflag:s9], $0x200  }
0x57: {  	[sflag:s9] =	ssyncset.done @!p0 $0x0  }
.LBB2_2:
0x58: {  	[sflag:s9] =	ssyncadd.s32 @!p0 $0xFFFFFE00  }
0x59: {  	_ =	sfence.sel $0x180000  }
0x5a: {  	[bflag:$0x0] =	sbarrier.arrive $0xFFFF  }
0x5b: {  	_ =	strace $0x90000047  }
0x5c: {  	s0 =	sadd.s32 @!p0 $0x100000, s0;
	[bflag:$0x2] =	sbarrier.arrive $0xFFFF  }
0x5d: {  	[sflag:s0] =	ssyncadd.tile.s32 @!p0 $0x1;
	_ =	shalt  }
.Lfunc_end2:
_tile_overlayer_lowered:
.L_overlay_start_2:
0x5e: {  	(tag) =	ssettag $0x2  }
0x5f: {  	s0 =	rddreg [dreg:$0x0];
	s2 =	stileid.u32  }
0x60: {  	s1 =	rddreg [dreg:$0x1];
	p0 =	sne.s32 s2, $0x0  }
0x61: {  	s3 =	rddreg [dreg:$0x2];
	[bflag:$0x3] =	sbarrier.arrive $0xFFFF;
	s2 =	simm.s32 @!p0 $0x1C02  }
0x62: {  	[timem:s3], [sflag:s2] =	dma.local @!p0 [hbm:s0], s1  }
0x63: {  	s0 =	simm.s32 @!p0 $0x2  }
0x64: {  	_ =	swait.ge @!p0 [sflag:s0], s1  }
0x65: {  	s1 =	ssub.s32 @!p0 $0x0, s1;
	[sflag:s0] =	ssyncset.done @!p0 $0x0  }
0x66: {  	[sflag:s0] =	ssyncadd.s32 @!p0 s1  }
0x67: {  	[bflag:$0x3] =	sbarrier.arrive $0xFFFF  }
0x68: {  	_ =	shalt  }

</sc_bundles>
